<compile_context>
chip_gen: v7x
topology: tpu7x:2x2x1
jax: 0.10.2.dev20260603
libtpu: 0.0.44.dev20260713+nightly
codegen_flags: <defaults>
</compile_context>

<pallas_src>
import functools

import jax
import jax.numpy as jnp
from jax import lax
from jax.experimental import pallas as pl
from jax.experimental.pallas import tpu as pltpu
from jax.experimental.pallas import tpu_sc as plsc

T, D, E, K, F, FS = 4096, 1024, 8, 2, 512, 1024
TS = 1024
TM = 512
_NRAW = T * K + E * TM
NT = -(-_NRAW // TM)
NPAD = NT * TM
NW = 32
NEG = -1e30
DH = D // 2


def _pack_bf16(v):
    vb = v.astype(jnp.bfloat16)
    lo = jax.lax.bitcast_convert_type(vb[:, :DH], jnp.uint16).astype(jnp.uint32)
    hi = jax.lax.bitcast_convert_type(vb[:, DH:], jnp.uint16).astype(jnp.uint32)
    return jax.lax.bitcast_convert_type(lo | (hi << 16), jnp.int32)


def _unpack_bf16(w):
    u = jax.lax.bitcast_convert_type(w, jnp.uint32)
    lo = jax.lax.bitcast_convert_type((u & 0xFFFF).astype(jnp.uint16),
                                      jnp.bfloat16)
    hi = jax.lax.bitcast_convert_type((u >> 16).astype(jnp.uint16),
                                      jnp.bfloat16)
    return jnp.concatenate([lo, hi], axis=1)


def _router_body(x_ref, rw_ref,
                 xp_ref, w0_ref, w1_ref, p0_ref, p1_ref, texp_ref,
                 carry_ref, es0, es1, rs0, rs1):
    i = pl.program_id(0)
    nb = T // TS

    @pl.when(i == 0)
    def _():
        carry_ref[...] = jnp.zeros_like(carry_ref)

    @pl.when(i < nb)
    def _():
        x = x_ref[...]
        logits = jnp.dot(x, rw_ref[...], preferred_element_type=jnp.float32)
        ii = lax.broadcasted_iota(jnp.int32, (TS, E), 1)
        m0 = jnp.max(logits, axis=1, keepdims=True)
        e0 = jnp.min(jnp.where(logits == m0, ii, E), axis=1, keepdims=True)
        l2 = jnp.where(ii == e0, NEG, logits)
        m1 = jnp.max(l2, axis=1, keepdims=True)
        e1 = jnp.min(jnp.where(l2 == m1, ii, E), axis=1, keepdims=True)
        w0 = jax.nn.sigmoid(m0 - m1)

        oh0 = (ii == e0).astype(jnp.float32)
        oh1 = (ii == e1).astype(jnp.float32)
        oh = oh0 + oh1
        cum = oh
        k = 1
        while k < TS:
            cum = cum + jnp.concatenate(
                [jnp.zeros((k, E), jnp.float32), cum[:-k, :]], axis=0)
            k *= 2
        cum = cum - oh + carry_ref[0:1, :]
        r0 = jnp.sum(cum * oh0, axis=1, keepdims=True)
        r1 = jnp.sum(cum * oh1, axis=1, keepdims=True)
        carry_new = carry_ref[0:1, :] + jnp.sum(oh, axis=0, keepdims=True)
        carry_ref[...] = jnp.broadcast_to(carry_new, carry_ref.shape)

        base = i * TS
        es0[pl.ds(base, TS), :] = e0
        es1[pl.ds(base, TS), :] = e1
        rs0[pl.ds(base, TS), :] = r0.astype(jnp.int32)
        rs1[pl.ds(base, TS), :] = r1.astype(jnp.int32)
        w0_ref[...] = w0
        w1_ref[...] = 1.0 - w0
        xp_ref[...] = _pack_bf16(x)

    @pl.when(i == nb)
    def _():
        cf = carry_ref[0:1, :]
        tiles_row = jnp.ceil(cf / TM)
        i8r = lax.broadcasted_iota(jnp.int32, (E, E), 0)
        i8c = lax.broadcasted_iota(jnp.int32, (E, E), 1)
        le_t = (i8r <= i8c).astype(jnp.float32)
        cum_row = jnp.dot(tiles_row, le_t,
                          precision=jax.lax.Precision.HIGHEST)
        off_row = (cum_row - tiles_row) * TM

        ii = lax.broadcasted_iota(jnp.int32, (T, E), 1)
        zero = jnp.zeros((), jnp.float32)
        oh0 = ii == es0[...]
        oh1 = ii == es1[...]
        p0 = jnp.sum(jnp.where(oh0, off_row, zero), axis=1, keepdims=True)
        p1 = jnp.sum(jnp.where(oh1, off_row, zero), axis=1, keepdims=True)
        p0_ref[...] = p0.astype(jnp.int32) + rs0[...]
        p1_ref[...] = p1.astype(jnp.int32) + rs1[...]

        eye = (i8r == i8c).astype(jnp.float32)
        cum_col = jnp.sum(eye * cum_row, axis=1, keepdims=True)
        it = lax.broadcasted_iota(jnp.int32, (E, NT), 1).astype(jnp.float32)
        ge = (it >= cum_col).astype(jnp.int32)
        texp = jnp.minimum(jnp.sum(ge, axis=0, keepdims=True), E - 1)
        texp_ref[...] = jnp.broadcast_to(texp, (8, NT))


def _router(x, rw):
    nb = T // TS
    meta_i = jax.ShapeDtypeStruct((T, 1), jnp.int32)
    meta_f = jax.ShapeDtypeStruct((T, 1), jnp.float32)
    blk = lambda i: (jnp.minimum(i, nb - 1), 0)
    col = lambda: pl.BlockSpec((TS, 1), blk)
    full = lambda: pl.BlockSpec((T, 1), lambda i: (0, 0))
    return pl.pallas_call(
        _router_body,
        grid=(nb + 1,),
        in_specs=[
            pl.BlockSpec((TS, D), blk),
            pl.BlockSpec((D, E), lambda i: (0, 0)),
        ],
        out_specs=[
            pl.BlockSpec((TS, DH), blk),
            col(), col(), full(), full(),
            pl.BlockSpec((8, NT), lambda i: (0, 0)),
        ],
        out_shape=[
            jax.ShapeDtypeStruct((T, DH), jnp.int32),
            meta_f, meta_f, meta_i, meta_i,
            jax.ShapeDtypeStruct((8, NT), jnp.int32),
        ],
        scratch_shapes=[pltpu.VMEM((8, E), jnp.float32),
                        pltpu.VMEM((T, 1), jnp.int32),
                        pltpu.VMEM((T, 1), jnp.int32),
                        pltpu.VMEM((T, 1), jnp.int32),
                        pltpu.VMEM((T, 1), jnp.int32)],
    )(x, rw)


def _shared_body(x_ref, sg_ref, su_ref, sd_ref, shared_ref):
    xb = x_ref[...]
    sg = jnp.dot(xb, sg_ref[...], preferred_element_type=jnp.float32)
    su = jnp.dot(xb, su_ref[...], preferred_element_type=jnp.float32)
    h = sg * jax.nn.sigmoid(sg) * su
    shared_ref[...] = jnp.dot(h, sd_ref[...], preferred_element_type=jnp.float32)


def _shared_mlp(x, sg, su, sd):
    nb = T // TS
    return pl.pallas_call(
        _shared_body,
        grid=(nb,),
        in_specs=[
            pl.BlockSpec((TS, D), lambda i: (i, 0)),
            pl.BlockSpec((D, FS), lambda i: (0, 0)),
            pl.BlockSpec((D, FS), lambda i: (0, 0)),
            pl.BlockSpec((FS, D), lambda i: (0, 0)),
        ],
        out_specs=pl.BlockSpec((TS, D), lambda i: (i, 0)),
        out_shape=jax.ShapeDtypeStruct((T, D), jnp.float32),
    )(x, sg, su, sd)


def _sc_scatter_rows(src, pos3, ch):
    t, d = src.shape
    per = t // NW
    nch = per // ch
    mesh = plsc.VectorSubcoreMesh(core_axis_name="c", subcore_axis_name="s")

    @functools.partial(
        pl.kernel, mesh=mesh,
        out_type=jax.ShapeDtypeStruct((NPAD, d), src.dtype),
        scratch_types=[
            pltpu.VMEM((nch, ch), jnp.int32),
            pltpu.VMEM((nch, ch), jnp.int32),
            [pltpu.VMEM((ch, d), src.dtype) for _ in range(2)],
            [pltpu.SemaphoreType.DMA for _ in range(2)],
            [pltpu.SemaphoreType.DMA for _ in range(2)],
            [pltpu.SemaphoreType.DMA for _ in range(2)],
        ],
    )
    def k(src_hbm, pos3_hbm, out_hbm, idx0_v, idx1_v, bufs, lsems, s0sems, s1sems):
        wid = lax.axis_index("s") * 2 + lax.axis_index("c")
        base = wid * per
        pltpu.sync_copy(pos3_hbm.at[0, pl.ds(wid * nch, nch)], idx0_v)
        pltpu.sync_copy(pos3_hbm.at[1, pl.ds(wid * nch, nch)], idx1_v)
        lops = [None] * nch
        sops = {}

        def load(j):
            b = j % 2
            lops[j] = pltpu.async_copy(
                src_hbm.at[pl.ds(base + j * ch, ch)], bufs[b], lsems[b])

        load(0)
        for j in range(nch):
            if j + 1 < nch:
                if j - 1 >= 0:
                    sops[(j - 1, 0)].wait()
                    sops[(j - 1, 1)].wait()
                load(j + 1)
            lops[j].wait()
            b = j % 2
            sops[(j, 0)] = pltpu.async_copy(
                bufs[b], out_hbm.at[idx0_v.at[j]], s0sems[b])
            sops[(j, 1)] = pltpu.async_copy(
                bufs[b], out_hbm.at[idx1_v.at[j]], s1sems[b])
        for j in range(max(0, nch - 2), nch):
            sops[(j, 0)].wait()
            sops[(j, 1)].wait()

    return k(src, pos3)


def _sc_gather_rows(src, idx, ch):
    m = idx.shape[0]
    d = src.shape[1]
    per = m // NW
    nch = per // ch
    nbuf = 2
    mesh = plsc.VectorSubcoreMesh(core_axis_name="c", subcore_axis_name="s")

    @functools.partial(
        pl.kernel, mesh=mesh,
        out_type=jax.ShapeDtypeStruct((m, d), src.dtype),
        scratch_types=[
            pltpu.VMEM((per,), jnp.int32),
            [pltpu.VMEM((ch, d), src.dtype) for _ in range(nbuf)],
            [pltpu.SemaphoreType.DMA for _ in range(nbuf)],
            [pltpu.SemaphoreType.DMA for _ in range(nbuf)],
        ],
    )
    def k(src_hbm, idx_hbm, out_hbm, idx_v, bufs, gsems, wsems):
        wid = lax.axis_index("s") * 2 + lax.axis_index("c")
        base = wid * per
        pltpu.sync_copy(idx_hbm.at[pl.ds(base, per)], idx_v)
        gops = [None] * nch
        wops = [None] * nch

        def start_gather(c):
            b = c % nbuf
            gops[c] = pltpu.async_copy(
                src_hbm.at[idx_v.at[pl.ds(c * ch, ch)]], bufs[b], gsems[b])

        start_gather(0)
        for c in range(nch):
            if c + 1 < nch:
                if c + 1 >= nbuf:
                    wops[c + 1 - nbuf].wait()
                start_gather(c + 1)
            gops[c].wait()
            b = c % nbuf
            wops[c] = pltpu.async_copy(
                bufs[b], out_hbm.at[pl.ds(base + c * ch, ch)], wsems[b])
        for c in range(max(0, nch - nbuf), nch):
            wops[c].wait()

    return k(src, idx)


def _grouped_body(texp_s, xg_ref, wg_ref, wu_ref, wd_ref, y_ref):
    xg = _unpack_bf16(xg_ref[...]).astype(jnp.float32)
    hg = jnp.dot(xg, wg_ref[0], preferred_element_type=jnp.float32)
    hu = jnp.dot(xg, wu_ref[0], preferred_element_type=jnp.float32)
    h = hg * jax.nn.sigmoid(hg) * hu
    y = jnp.dot(h, wd_ref[0], preferred_element_type=jnp.float32)
    y_ref[...] = _pack_bf16(y)


def _grouped_mlp(texp, xg, wg, wu, wd):
    grid_spec = pltpu.PrefetchScalarGridSpec(
        num_scalar_prefetch=1,
        grid=(NT,),
        in_specs=[
            pl.BlockSpec((TM, DH), lambda i, s: (i, 0)),
            pl.BlockSpec((1, D, F), lambda i, s: (s[i], 0, 0)),
            pl.BlockSpec((1, D, F), lambda i, s: (s[i], 0, 0)),
            pl.BlockSpec((1, F, D), lambda i, s: (s[i], 0, 0)),
        ],
        out_specs=pl.BlockSpec((TM, DH), lambda i, s: (i, 0)),
    )
    return pl.pallas_call(
        _grouped_body, grid_spec=grid_spec,
        out_shape=jax.ShapeDtypeStruct((NPAD, DH), jnp.int32),
    )(texp, xg, wg, wu, wd)


def _combine_body(ya_ref, yb_ref, sh_ref, w0_ref, w1_ref, o_ref):
    ya = _unpack_bf16(ya_ref[...]).astype(jnp.float32)
    yb = _unpack_bf16(yb_ref[...]).astype(jnp.float32)
    o_ref[...] = w0_ref[...] * ya + w1_ref[...] * yb + sh_ref[...]


def _combine(yg, shared_out, w0, w1):
    nb = T // TS
    return pl.pallas_call(
        _combine_body,
        grid=(nb,),
        in_specs=[
            pl.BlockSpec((TS, DH), lambda i: (i, 0)),
            pl.BlockSpec((TS, DH), lambda i, _nb=nb: (i + _nb, 0)),
            pl.BlockSpec((TS, D), lambda i: (i, 0)),
            pl.BlockSpec((TS, 1), lambda i: (i, 0)),
            pl.BlockSpec((TS, 1), lambda i: (i, 0)),
        ],
        out_specs=pl.BlockSpec((TS, D), lambda i: (i, 0)),
        out_shape=jax.ShapeDtypeStruct((T, D), jnp.float32),
    )(yg, yg, shared_out, w0, w1)


def kernel(hidden_states, router_w, w_gate, w_up, w_down,
           shared_gate, shared_up, shared_down):
    x = hidden_states
    (xp, w0, w1, p0, p1, texp8) = _router(x, router_w)
    texp = texp8[0]
    pos0 = p0[:, 0]
    pos1 = p1[:, 0]
    shared_out = _shared_mlp(x, shared_gate, shared_up, shared_down)
    ch = 64
    pos3 = jnp.stack([pos0, pos1]).reshape(2, T // ch, ch)
    xg = _sc_scatter_rows(xp, pos3, ch)
    y = _grouped_mlp(texp, xg, w_gate, w_up, w_down)
    pos01 = jnp.concatenate([pos0, pos1])
    yg = _sc_gather_rows(y, pos01, 64)
    return _combine(yg, shared_out, w0, w1)

# --- scband reference (transcript-rebuilt; emitter-appended) ---
"""Pipeline reference for scband-deep-seek-mo-effn-22797686407762 (READ-ONLY COPY).

The authoritative reference and input builder live on the scoring server;
editing this copy changes nothing except your own understanding.
"""

import jax, jax.numpy as jnp
import numpy as np

T = 4096      # 2 * 2048 tokens
D = 1024      # hidden_size
E = 8         # num_local_experts
K = 2         # top_k
F = 512       # moe_intermediate_size
FS = 1024     # shared intermediate = moe_intermediate_size * n_shared_experts (2)


def setup_inputs(seed: int = 0) -> dict:
    key = jax.random.key(seed)
    ks = jax.random.split(key, 8)
    return {
        "hidden_states": jax.random.normal(ks[0], (T, D), dtype=jnp.float32),
        "router_w": jax.random.normal(ks[1], (D, E), dtype=jnp.float32) * 0.02,
        "w_gate": jax.random.normal(ks[2], (E, D, F), dtype=jnp.float32) * 0.02,
        "w_up": jax.random.normal(ks[3], (E, D, F), dtype=jnp.float32) * 0.02,
        "w_down": jax.random.normal(ks[4], (E, F, D), dtype=jnp.float32) * 0.02,
        "shared_gate": jax.random.normal(ks[5], (D, FS), dtype=jnp.float32) * 0.02,
        "shared_up": jax.random.normal(ks[6], (D, FS), dtype=jnp.float32) * 0.02,
        "shared_down": jax.random.normal(ks[7], (FS, D), dtype=jnp.float32) * 0.02,
    }


def _silu(a):
    return a * jax.nn.sigmoid(a)


def reference(hidden_states, router_w, w_gate, w_up, w_down, shared_gate, shared_up, shared_down):
    x = hidden_states  # [T, D]

    # ---- Router: softmax over experts, top-k selection, renormalize ----
    logits = x @ router_w                      # [T, E]
    probs = jax.nn.softmax(logits, axis=-1)    # [T, E]
    topv, topi = jax.lax.top_k(probs, K)       # [T, K]
    topv = topv / jnp.sum(topv, axis=-1, keepdims=True)
    # combine weights: [T, E], zero for unselected experts
    combine = jnp.sum(jax.nn.one_hot(topi, E, dtype=x.dtype) * topv[..., None], axis=1)

    # ---- Routed experts (SiLU gate/up/down MLP per expert) ----
    hg = jnp.einsum('td,edf->tef', x, w_gate)  # [T, E, F]
    hu = jnp.einsum('td,edf->tef', x, w_up)    # [T, E, F]
    h = _silu(hg) * hu                         # [T, E, F]
    ye = jnp.einsum('tef,efd->ted', h, w_down) # [T, E, D]
    moe_out = jnp.einsum('te,ted->td', combine, ye)  # [T, D]

    # ---- Shared expert (processes ALL tokens) ----
    sg = x @ shared_gate                       # [T, FS]
    su = x @ shared_up                         # [T, FS]
    shared_out = (_silu(sg) * su) @ shared_down  # [T, D]

    # Output = moe_routed_output + shared_expert_output
    return moe_out + shared_out

if __name__ == "__main__":
    import jax
    _d = setup_inputs()
    print(jax.jit(kernel)(*tuple(_d.values())))

</pallas_src>

<mosaic_0001>
#map = affine_map<(d0, d1) -> (0, 0)>
#map1 = affine_map<(d0, d1) -> (0)>
module attributes {stable_mosaic.version = 14 : i64} {
  func.func @k(%arg0: i32, %arg1: i32, %arg2: memref<12288x512xi32, #tpu.memory_space<hbm>>, %arg3: memref<8192xi32, #tpu.memory_space<hbm>>, %arg4: memref<8192x512xi32, #tpu.memory_space<hbm>>, %arg5: memref<256xi32, #tpu.memory_space<vmem>>, %arg6: memref<64x512xi32, #tpu.memory_space<vmem>>, %arg7: memref<64x512xi32, #tpu.memory_space<vmem>>, %arg8: memref<!tpu.dma_semaphore, #tpu.memory_space<semaphore_mem>>, %arg9: memref<!tpu.dma_semaphore, #tpu.memory_space<semaphore_mem>>, %arg10: memref<!tpu.dma_semaphore, #tpu.memory_space<semaphore_mem>>, %arg11: memref<!tpu.dma_semaphore, #tpu.memory_space<semaphore_mem>>) attributes {dimension_semantics = [#tpu.dimension_semantics<core_parallel>, #tpu.dimension_semantics<subcore_parallel>], iteration_bounds = array<i64: 2, 16>, scalar_prefetch = 0 : i64, scratch_operands = 7 : i64, tpu.core_type = #tpu.core_type<sc_vector_subcore>, window_params = [{transform_indices = #map}, {transform_indices = #map1}, {transform_indices = #map}]} {
    %mul3A = arith.constant 2 : i32
    %mul3A_0 = arith.muli %arg1, %mul3A : i32
    %add3A = arith.addi %mul3A_0, %arg0 : i32
    %mul3A_1 = arith.constant 256 : i32
    %mul3A_2 = arith.muli %add3A, %mul3A_1 : i32
    "tpu.region"() ({
      %run_scoped3A = tpu.sem_alloc : memref<!tpu.dma_semaphore, #tpu.memory_space<semaphore_mem>>
      %dma_start3A_81 = tpu.memref_slice %arg3[%mul3A_2] : memref<8192xi32, #tpu.memory_space<hbm>> -> memref<256xi32, #tpu.memory_space<hbm>>
      %dma_start3A_82 = tpu.memref_slice %arg3[%mul3A_2] : memref<8192xi32, #tpu.memory_space<hbm>> -> memref<256xi32, #tpu.memory_space<hbm>>
      tpu.enqueue_dma source(%dma_start3A_82 : memref<256xi32, #tpu.memory_space<hbm>>) target(%arg5 : memref<256xi32, #tpu.memory_space<vmem>>) target_semaphore(%run_scoped3A : memref<!tpu.dma_semaphore, #tpu.memory_space<semaphore_mem>>)
      %dma_wait3A_83 = tpu.memref_slice %arg3[%mul3A_2] : memref<8192xi32, #tpu.memory_space<hbm>> -> memref<256xi32, #tpu.memory_space<hbm>>
      %dma_wait3A_84 = tpu.memref_slice %arg3[%mul3A_2] : memref<8192xi32, #tpu.memory_space<hbm>> -> memref<256xi32, #tpu.memory_space<hbm>>
      tpu.wait_dma2 semaphore(%run_scoped3A : memref<!tpu.dma_semaphore, #tpu.memory_space<semaphore_mem>>) src(%dma_wait3A_84 : memref<256xi32, #tpu.memory_space<hbm>>) dst(%arg5 : memref<256xi32, #tpu.memory_space<vmem>>)
      tpu.yield
    }) : () -> ()
    %dma_start3A = arith.constant 0 : i32
    %dma_start3A_3 = tpu.memref_slice %arg5[%dma_start3A] : memref<256xi32, #tpu.memory_space<vmem>> -> memref<64xi32, #tpu.memory_space<vmem>>
    %dma_start3A_4 = arith.constant 0 : i32
    %dma_start3A_5 = arith.constant 0 : i32
    %dma_start3A_6 = tpu.memref_slice %arg2[%dma_start3A_4, %dma_start3A_5] : memref<12288x512xi32, #tpu.memory_space<hbm>> -> memref<12288x512xi32, #tpu.memory_space<hbm>>
    tpu.enqueue_indirect_dma source(%dma_start3A_6 : memref<12288x512xi32, #tpu.memory_space<hbm>>) target(%arg6 : memref<64x512xi32, #tpu.memory_space<vmem>>) offsets(%dma_start3A_3 : memref<64xi32, #tpu.memory_space<vmem>>) semaphore(%arg8 : memref<!tpu.dma_semaphore, #tpu.memory_space<semaphore_mem>>)
    %dma_start3A_7 = arith.constant 64 : i32
    %dma_start3A_8 = tpu.memref_slice %arg5[%dma_start3A_7] : memref<256xi32, #tpu.memory_space<vmem>> -> memref<64xi32, #tpu.memory_space<vmem>>
    %dma_start3A_9 = arith.constant 0 : i32
    %dma_start3A_10 = arith.constant 0 : i32
    %dma_start3A_11 = tpu.memref_slice %arg2[%dma_start3A_9, %dma_start3A_10] : memref<12288x512xi32, #tpu.memory_space<hbm>> -> memref<12288x512xi32, #tpu.memory_space<hbm>>
    tpu.enqueue_indirect_dma source(%dma_start3A_11 : memref<12288x512xi32, #tpu.memory_space<hbm>>) target(%arg7 : memref<64x512xi32, #tpu.memory_space<vmem>>) offsets(%dma_start3A_8 : memref<64xi32, #tpu.memory_space<vmem>>) semaphore(%arg9 : memref<!tpu.dma_semaphore, #tpu.memory_space<semaphore_mem>>)
    %dma_wait3A = arith.constant 0 : i32
    %dma_wait3A_12 = tpu.memref_slice %arg5[%dma_wait3A] : memref<256xi32, #tpu.memory_space<vmem>> -> memref<64xi32, #tpu.memory_space<vmem>>
    %dma_wait3A_13 = arith.constant 0 : i32
    %dma_wait3A_14 = arith.constant 0 : i32
    %dma_wait3A_15 = tpu.memref_slice %arg2[%dma_wait3A_13, %dma_wait3A_14] : memref<12288x512xi32, #tpu.memory_space<hbm>> -> memref<12288x512xi32, #tpu.memory_space<hbm>>
    tpu.wait_indirect_dma semaphore(%arg8 : memref<!tpu.dma_semaphore, #tpu.memory_space<semaphore_mem>>) src(%dma_wait3A_15 : memref<12288x512xi32, #tpu.memory_space<hbm>>) dst(%arg6 : memref<64x512xi32, #tpu.memory_space<vmem>>)
    %add3A_16 = arith.constant 0 : i32
    %add3A_17 = arith.addi %mul3A_2, %add3A_16 : i32
    %dma_start3A_18 = arith.constant 0 : i32
    %dma_start3A_19 = tpu.memref_slice %arg4[%add3A_17, %dma_start3A_18] : memref<8192x512xi32, #tpu.memory_space<hbm>> -> memref<64x512xi32, #tpu.memory_space<hbm>>
    %dma_start3A_20 = arith.constant 0 : i32
    %dma_start3A_21 = tpu.memref_slice %arg4[%add3A_17, %dma_start3A_20] : memref<8192x512xi32, #tpu.memory_space<hbm>> -> memref<64x512xi32, #tpu.memory_space<hbm>>
    tpu.enqueue_dma source(%arg6 : memref<64x512xi32, #tpu.memory_space<vmem>>) target(%dma_start3A_21 : memref<64x512xi32, #tpu.memory_space<hbm>>) target_semaphore(%arg10 : memref<!tpu.dma_semaphore, #tpu.memory_space<semaphore_mem>>)
    %dma_wait3A_22 = arith.constant 0 : i32
    %dma_wait3A_23 = tpu.memref_slice %arg4[%add3A_17, %dma_wait3A_22] : memref<8192x512xi32, #tpu.memory_space<hbm>> -> memref<64x512xi32, #tpu.memory_space<hbm>>
    %dma_wait3A_24 = arith.constant 0 : i32
    %dma_wait3A_25 = tpu.memref_slice %arg4[%add3A_17, %dma_wait3A_24] : memref<8192x512xi32, #tpu.memory_space<hbm>> -> memref<64x512xi32, #tpu.memory_space<hbm>>
    tpu.wait_dma2 semaphore(%arg10 : memref<!tpu.dma_semaphore, #tpu.memory_space<semaphore_mem>>) src(%arg6 : memref<64x512xi32, #tpu.memory_space<vmem>>) dst(%dma_wait3A_25 : memref<64x512xi32, #tpu.memory_space<hbm>>)
    %dma_start3A_26 = arith.constant 128 : i32
    %dma_start3A_27 = tpu.memref_slice %arg5[%dma_start3A_26] : memref<256xi32, #tpu.memory_space<vmem>> -> memref<64xi32, #tpu.memory_space<vmem>>
    %dma_start3A_28 = arith.constant 0 : i32
    %dma_start3A_29 = arith.constant 0 : i32
    %dma_start3A_30 = tpu.memref_slice %arg2[%dma_start3A_28, %dma_start3A_29] : memref<12288x512xi32, #tpu.memory_space<hbm>> -> memref<12288x512xi32, #tpu.memory_space<hbm>>
    tpu.enqueue_indirect_dma source(%dma_start3A_30 : memref<12288x512xi32, #tpu.memory_space<hbm>>) target(%arg6 : memref<64x512xi32, #tpu.memory_space<vmem>>) offsets(%dma_start3A_27 : memref<64xi32, #tpu.memory_space<vmem>>) semaphore(%arg8 : memref<!tpu.dma_semaphore, #tpu.memory_space<semaphore_mem>>)
    %dma_wait3A_31 = arith.constant 64 : i32
    %dma_wait3A_32 = tpu.memref_slice %arg5[%dma_wait3A_31] : memref<256xi32, #tpu.memory_space<vmem>> -> memref<64xi32, #tpu.memory_space<vmem>>
    %dma_wait3A_33 = arith.constant 0 : i32
    %dma_wait3A_34 = arith.constant 0 : i32
    %dma_wait3A_35 = tpu.memref_slice %arg2[%dma_wait3A_33, %dma_wait3A_34] : memref<12288x512xi32, #tpu.memory_space<hbm>> -> memref<12288x512xi32, #tpu.memory_space<hbm>>
    tpu.wait_indirect_dma semaphore(%arg9 : memref<!tpu.dma_semaphore, #tpu.memory_space<semaphore_mem>>) src(%dma_wait3A_35 : memref<12288x512xi32, #tpu.memory_space<hbm>>) dst(%arg7 : memref<64x512xi32, #tpu.memory_space<vmem>>)
    %add3A_36 = arith.constant 64 : i32
    %add3A_37 = arith.addi %mul3A_2, %add3A_36 : i32
    %dma_start3A_38 = arith.constant 0 : i32
    %dma_start3A_39 = tpu.memref_slice %arg4[%add3A_37, %dma_start3A_38] : memref<8192x512xi32, #tpu.memory_space<hbm>> -> memref<64x512xi32, #tpu.memory_space<hbm>>
    %dma_start3A_40 = arith.constant 0 : i32
    %dma_start3A_41 = tpu.memref_slice %arg4[%add3A_37, %dma_start3A_40] : memref<8192x512xi32, #tpu.memory_space<hbm>> -> memref<64x512xi32, #tpu.memory_space<hbm>>
    tpu.enqueue_dma source(%arg7 : memref<64x512xi32, #tpu.memory_space<vmem>>) target(%dma_start3A_41 : memref<64x512xi32, #tpu.memory_space<hbm>>) target_semaphore(%arg11 : memref<!tpu.dma_semaphore, #tpu.memory_space<semaphore_mem>>)
    %dma_wait3A_42 = arith.constant 0 : i32
    %dma_wait3A_43 = tpu.memref_slice %arg4[%add3A_37, %dma_wait3A_42] : memref<8192x512xi32, #tpu.memory_space<hbm>> -> memref<64x512xi32, #tpu.memory_space<hbm>>
    %dma_wait3A_44 = arith.constant 0 : i32
    %dma_wait3A_45 = tpu.memref_slice %arg4[%add3A_37, %dma_wait3A_44] : memref<8192x512xi32, #tpu.memory_space<hbm>> -> memref<64x512xi32, #tpu.memory_space<hbm>>
    tpu.wait_dma2 semaphore(%arg11 : memref<!tpu.dma_semaphore, #tpu.memory_space<semaphore_mem>>) src(%arg7 : memref<64x512xi32, #tpu.memory_space<vmem>>) dst(%dma_wait3A_45 : memref<64x512xi32, #tpu.memory_space<hbm>>)
    %dma_start3A_46 = arith.constant 192 : i32
    %dma_start3A_47 = tpu.memref_slice %arg5[%dma_start3A_46] : memref<256xi32, #tpu.memory_space<vmem>> -> memref<64xi32, #tpu.memory_space<vmem>>
    %dma_start3A_48 = arith.constant 0 : i32
    %dma_start3A_49 = arith.constant 0 : i32
    %dma_start3A_50 = tpu.memref_slice %arg2[%dma_start3A_48, %dma_start3A_49] : memref<12288x512xi32, #tpu.memory_space<hbm>> -> memref<12288x512xi32, #tpu.memory_space<hbm>>
    tpu.enqueue_indirect_dma source(%dma_start3A_50 : memref<12288x512xi32, #tpu.memory_space<hbm>>) target(%arg7 : memref<64x512xi32, #tpu.memory_space<vmem>>) offsets(%dma_start3A_47 : memref<64xi32, #tpu.memory_space<vmem>>) semaphore(%arg9 : memref<!tpu.dma_semaphore, #tpu.memory_space<semaphore_mem>>)
    %dma_wait3A_51 = arith.constant 128 : i32
    %dma_wait3A_52 = tpu.memref_slice %arg5[%dma_wait3A_51] : memref<256xi32, #tpu.memory_space<vmem>> -> memref<64xi32, #tpu.memory_space<vmem>>
    %dma_wait3A_53 = arith.constant 0 : i32
    %dma_wait3A_54 = arith.constant 0 : i32
    %dma_wait3A_55 = tpu.memref_slice %arg2[%dma_wait3A_53, %dma_wait3A_54] : memref<12288x512xi32, #tpu.memory_space<hbm>> -> memref<12288x512xi32, #tpu.memory_space<hbm>>
    tpu.wait_indirect_dma semaphore(%arg8 : memref<!tpu.dma_semaphore, #tpu.memory_space<semaphore_mem>>) src(%dma_wait3A_55 : memref<12288x512xi32, #tpu.memory_space<hbm>>) dst(%arg6 : memref<64x512xi32, #tpu.memory_space<vmem>>)
    %add3A_56 = arith.constant 128 : i32
    %add3A_57 = arith.addi %mul3A_2, %add3A_56 : i32
    %dma_start3A_58 = arith.constant 0 : i32
    %dma_start3A_59 = tpu.memref_slice %arg4[%add3A_57, %dma_start3A_58] : memref<8192x512xi32, #tpu.memory_space<hbm>> -> memref<64x512xi32, #tpu.memory_space<hbm>>
    %dma_start3A_60 = arith.constant 0 : i32
    %dma_start3A_61 = tpu.memref_slice %arg4[%add3A_57, %dma_start3A_60] : memref<8192x512xi32, #tpu.memory_space<hbm>> -> memref<64x512xi32, #tpu.memory_space<hbm>>
    tpu.enqueue_dma source(%arg6 : memref<64x512xi32, #tpu.memory_space<vmem>>) target(%dma_start3A_61 : memref<64x512xi32, #tpu.memory_space<hbm>>) target_semaphore(%arg10 : memref<!tpu.dma_semaphore, #tpu.memory_space<semaphore_mem>>)
    %dma_wait3A_62 = arith.constant 192 : i32
    %dma_wait3A_63 = tpu.memref_slice %arg5[%dma_wait3A_62] : memref<256xi32, #tpu.memory_space<vmem>> -> memref<64xi32, #tpu.memory_space<vmem>>
    %dma_wait3A_64 = arith.constant 0 : i32
    %dma_wait3A_65 = arith.constant 0 : i32
    %dma_wait3A_66 = tpu.memref_slice %arg2[%dma_wait3A_64, %dma_wait3A_65] : memref<12288x512xi32, #tpu.memory_space<hbm>> -> memref<12288x512xi32, #tpu.memory_space<hbm>>
    tpu.wait_indirect_dma semaphore(%arg9 : memref<!tpu.dma_semaphore, #tpu.memory_space<semaphore_mem>>) src(%dma_wait3A_66 : memref<12288x512xi32, #tpu.memory_space<hbm>>) dst(%arg7 : memref<64x512xi32, #tpu.memory_space<vmem>>)
    %add3A_67 = arith.constant 192 : i32
    %add3A_68 = arith.addi %mul3A_2, %add3A_67 : i32
    %dma_start3A_69 = arith.constant 0 : i32
    %dma_start3A_70 = tpu.memref_slice %arg4[%add3A_68, %dma_start3A_69] : memref<8192x512xi32, #tpu.memory_space<hbm>> -> memref<64x512xi32, #tpu.memory_space<hbm>>
    %dma_start3A_71 = arith.constant 0 : i32
    %dma_start3A_72 = tpu.memref_slice %arg4[%add3A_68, %dma_start3A_71] : memref<8192x512xi32, #tpu.memory_space<hbm>> -> memref<64x512xi32, #tpu.memory_space<hbm>>
    tpu.enqueue_dma source(%arg7 : memref<64x512xi32, #tpu.memory_space<vmem>>) target(%dma_start3A_72 : memref<64x512xi32, #tpu.memory_space<hbm>>) target_semaphore(%arg11 : memref<!tpu.dma_semaphore, #tpu.memory_space<semaphore_mem>>)
    %dma_wait3A_73 = arith.constant 0 : i32
    %dma_wait3A_74 = tpu.memref_slice %arg4[%add3A_57, %dma_wait3A_73] : memref<8192x512xi32, #tpu.memory_space<hbm>> -> memref<64x512xi32, #tpu.memory_space<hbm>>
    %dma_wait3A_75 = arith.constant 0 : i32
    %dma_wait3A_76 = tpu.memref_slice %arg4[%add3A_57, %dma_wait3A_75] : memref<8192x512xi32, #tpu.memory_space<hbm>> -> memref<64x512xi32, #tpu.memory_space<hbm>>
    tpu.wait_dma2 semaphore(%arg10 : memref<!tpu.dma_semaphore, #tpu.memory_space<semaphore_mem>>) src(%arg6 : memref<64x512xi32, #tpu.memory_space<vmem>>) dst(%dma_wait3A_76 : memref<64x512xi32, #tpu.memory_space<hbm>>)
    %dma_wait3A_77 = arith.constant 0 : i32
    %dma_wait3A_78 = tpu.memref_slice %arg4[%add3A_68, %dma_wait3A_77] : memref<8192x512xi32, #tpu.memory_space<hbm>> -> memref<64x512xi32, #tpu.memory_space<hbm>>
    %dma_wait3A_79 = arith.constant 0 : i32
    %dma_wait3A_80 = tpu.memref_slice %arg4[%add3A_68, %dma_wait3A_79] : memref<8192x512xi32, #tpu.memory_space<hbm>> -> memref<64x512xi32, #tpu.memory_space<hbm>>
    tpu.wait_dma2 semaphore(%arg11 : memref<!tpu.dma_semaphore, #tpu.memory_space<semaphore_mem>>) src(%arg7 : memref<64x512xi32, #tpu.memory_space<vmem>>) dst(%dma_wait3A_80 : memref<64x512xi32, #tpu.memory_space<hbm>>)
    return
  }
}

#map = affine_map<(d0, d1) -> (0, 0)>
#map1 = affine_map<(d0, d1) -> (0, 0, 0)>
module attributes {stable_mosaic.version = 14 : i64} {
  func.func @k(%arg0: i32, %arg1: i32, %arg2: memref<4096x512xi32, #tpu.memory_space<hbm>>, %arg3: memref<2x64x64xi32, #tpu.memory_space<hbm>>, %arg4: memref<12288x512xi32, #tpu.memory_space<hbm>>, %arg5: memref<2x64xi32, #tpu.memory_space<vmem>>, %arg6: memref<2x64xi32, #tpu.memory_space<vmem>>, %arg7: memref<64x512xi32, #tpu.memory_space<vmem>>, %arg8: memref<64x512xi32, #tpu.memory_space<vmem>>, %arg9: memref<!tpu.dma_semaphore, #tpu.memory_space<semaphore_mem>>, %arg10: memref<!tpu.dma_semaphore, #tpu.memory_space<semaphore_mem>>, %arg11: memref<!tpu.dma_semaphore, #tpu.memory_space<semaphore_mem>>, %arg12: memref<!tpu.dma_semaphore, #tpu.memory_space<semaphore_mem>>, %arg13: memref<!tpu.dma_semaphore, #tpu.memory_space<semaphore_mem>>, %arg14: memref<!tpu.dma_semaphore, #tpu.memory_space<semaphore_mem>>) attributes {dimension_semantics = [#tpu.dimension_semantics<core_parallel>, #tpu.dimension_semantics<subcore_parallel>], iteration_bounds = array<i64: 2, 16>, scalar_prefetch = 0 : i64, scratch_operands = 10 : i64, tpu.core_type = #tpu.core_type<sc_vector_subcore>, window_params = [{transform_indices = #map}, {transform_indices = #map1}, {transform_indices = #map}]} {
    %mul3A = arith.constant 2 : i32
    %mul3A_0 = arith.muli %arg1, %mul3A : i32
    %add3A = arith.addi %mul3A_0, %arg0 : i32
    %mul3A_1 = arith.constant 128 : i32
    %mul3A_2 = arith.muli %add3A, %mul3A_1 : i32
    %mul3A_3 = arith.constant 2 : i32
    %mul3A_4 = arith.muli %add3A, %mul3A_3 : i32
    %run_scoped3A = arith.constant 0 : i32
    "tpu.region"() ({
      %run_scoped3A_82 = tpu.sem_alloc : memref<!tpu.dma_semaphore, #tpu.memory_space<semaphore_mem>>
      %dma_start3A_83 = arith.constant 0 : i32
      %dma_start3A_84 = tpu.memref_slice %arg3[%run_scoped3A, %mul3A_4, %dma_start3A_83] : memref<2x64x64xi32, #tpu.memory_space<hbm>> -> memref<1x2x64xi32, #tpu.memory_space<hbm>>
      %dma_start3A_85 = tpu.memref_squeeze %dma_start3A_84 : memref<1x2x64xi32, #tpu.memory_space<hbm>> -> memref<2x64xi32, #tpu.memory_space<hbm>>
      %dma_start3A_86 = arith.constant 0 : i32
      %dma_start3A_87 = tpu.memref_slice %arg3[%run_scoped3A, %mul3A_4, %dma_start3A_86] : memref<2x64x64xi32, #tpu.memory_space<hbm>> -> memref<1x2x64xi32, #tpu.memory_space<hbm>>
      %dma_start3A_88 = tpu.memref_squeeze %dma_start3A_87 : memref<1x2x64xi32, #tpu.memory_space<hbm>> -> memref<2x64xi32, #tpu.memory_space<hbm>>
      tpu.enqueue_dma source(%dma_start3A_88 : memref<2x64xi32, #tpu.memory_space<hbm>>) target(%arg5 : memref<2x64xi32, #tpu.memory_space<vmem>>) target_semaphore(%run_scoped3A_82 : memref<!tpu.dma_semaphore, #tpu.memory_space<semaphore_mem>>)
      %dma_wait3A_89 = arith.constant 0 : i32
      %dma_wait3A_90 = tpu.memref_slice %arg3[%run_scoped3A, %mul3A_4, %dma_wait3A_89] : memref<2x64x64xi32, #tpu.memory_space<hbm>> -> memref<1x2x64xi32, #tpu.memory_space<hbm>>
      %dma_wait3A_91 = tpu.memref_squeeze %dma_wait3A_90 : memref<1x2x64xi32, #tpu.memory_space<hbm>> -> memref<2x64xi32, #tpu.memory_space<hbm>>
      %dma_wait3A_92 = arith.constant 0 : i32
      %dma_wait3A_93 = tpu.memref_slice %arg3[%run_scoped3A, %mul3A_4, %dma_wait3A_92] : memref<2x64x64xi32, #tpu.memory_space<hbm>> -> memref<1x2x64xi32, #tpu.memory_space<hbm>>
      %dma_wait3A_94 = tpu.memref_squeeze %dma_wait3A_93 : memref<1x2x64xi32, #tpu.memory_space<hbm>> -> memref<2x64xi32, #tpu.memory_space<hbm>>
      tpu.wait_dma2 semaphore(%run_scoped3A_82 : memref<!tpu.dma_semaphore, #tpu.memory_space<semaphore_mem>>) src(%dma_wait3A_94 : memref<2x64xi32, #tpu.memory_space<hbm>>) dst(%arg5 : memref<2x64xi32, #tpu.memory_space<vmem>>)
      tpu.yield
    }) : () -> ()
    %mul3A_5 = arith.constant 2 : i32
    %mul3A_6 = arith.muli %add3A, %mul3A_5 : i32
    %run_scoped3A_7 = arith.constant 1 : i32
    "tpu.region"() ({
      %run_scoped3A_82 = tpu.sem_alloc : memref<!tpu.dma_semaphore, #tpu.memory_space<semaphore_mem>>
      %dma_start3A_83 = arith.constant 0 : i32
      %dma_start3A_84 = tpu.memref_slice %arg3[%run_scoped3A_7, %mul3A_6, %dma_start3A_83] : memref<2x64x64xi32, #tpu.memory_space<hbm>> -> memref<1x2x64xi32, #tpu.memory_space<hbm>>
      %dma_start3A_85 = tpu.memref_squeeze %dma_start3A_84 : memref<1x2x64xi32, #tpu.memory_space<hbm>> -> memref<2x64xi32, #tpu.memory_space<hbm>>
      %dma_start3A_86 = arith.constant 0 : i32
      %dma_start3A_87 = tpu.memref_slice %arg3[%run_scoped3A_7, %mul3A_6, %dma_start3A_86] : memref<2x64x64xi32, #tpu.memory_space<hbm>> -> memref<1x2x64xi32, #tpu.memory_space<hbm>>
      %dma_start3A_88 = tpu.memref_squeeze %dma_start3A_87 : memref<1x2x64xi32, #tpu.memory_space<hbm>> -> memref<2x64xi32, #tpu.memory_space<hbm>>
      tpu.enqueue_dma source(%dma_start3A_88 : memref<2x64xi32, #tpu.memory_space<hbm>>) target(%arg6 : memref<2x64xi32, #tpu.memory_space<vmem>>) target_semaphore(%run_scoped3A_82 : memref<!tpu.dma_semaphore, #tpu.memory_space<semaphore_mem>>)
      %dma_wait3A_89 = arith.constant 0 : i32
      %dma_wait3A_90 = tpu.memref_slice %arg3[%run_scoped3A_7, %mul3A_6, %dma_wait3A_89] : memref<2x64x64xi32, #tpu.memory_space<hbm>> -> memref<1x2x64xi32, #tpu.memory_space<hbm>>
      %dma_wait3A_91 = tpu.memref_squeeze %dma_wait3A_90 : memref<1x2x64xi32, #tpu.memory_space<hbm>> -> memref<2x64xi32, #tpu.memory_space<hbm>>
      %dma_wait3A_92 = arith.constant 0 : i32
      %dma_wait3A_93 = tpu.memref_slice %arg3[%run_scoped3A_7, %mul3A_6, %dma_wait3A_92] : memref<2x64x64xi32, #tpu.memory_space<hbm>> -> memref<1x2x64xi32, #tpu.memory_space<hbm>>
      %dma_wait3A_94 = tpu.memref_squeeze %dma_wait3A_93 : memref<1x2x64xi32, #tpu.memory_space<hbm>> -> memref<2x64xi32, #tpu.memory_space<hbm>>
      tpu.wait_dma2 semaphore(%run_scoped3A_82 : memref<!tpu.dma_semaphore, #tpu.memory_space<semaphore_mem>>) src(%dma_wait3A_94 : memref<2x64xi32, #tpu.memory_space<hbm>>) dst(%arg6 : memref<2x64xi32, #tpu.memory_space<vmem>>)
      tpu.yield
    }) : () -> ()
    %add3A_8 = arith.constant 0 : i32
    %add3A_9 = arith.addi %mul3A_2, %add3A_8 : i32
    %dma_start3A = arith.constant 0 : i32
    %dma_start3A_10 = tpu.memref_slice %arg2[%add3A_9, %dma_start3A] : memref<4096x512xi32, #tpu.memory_space<hbm>> -> memref<64x512xi32, #tpu.memory_space<hbm>>
    %dma_start3A_11 = arith.constant 0 : i32
    %dma_start3A_12 = tpu.memref_slice %arg2[%add3A_9, %dma_start3A_11] : memref<4096x512xi32, #tpu.memory_space<hbm>> -> memref<64x512xi32, #tpu.memory_space<hbm>>
    tpu.enqueue_dma source(%dma_start3A_12 : memref<64x512xi32, #tpu.memory_space<hbm>>) target(%arg7 : memref<64x512xi32, #tpu.memory_space<vmem>>) target_semaphore(%arg9 : memref<!tpu.dma_semaphore, #tpu.memory_space<semaphore_mem>>)
    %add3A_13 = arith.constant 64 : i32
    %add3A_14 = arith.addi %mul3A_2, %add3A_13 : i32
    %dma_start3A_15 = arith.constant 0 : i32
    %dma_start3A_16 = tpu.memref_slice %arg2[%add3A_14, %dma_start3A_15] : memref<4096x512xi32, #tpu.memory_space<hbm>> -> memref<64x512xi32, #tpu.memory_space<hbm>>
    %dma_start3A_17 = arith.constant 0 : i32
    %dma_start3A_18 = tpu.memref_slice %arg2[%add3A_14, %dma_start3A_17] : memref<4096x512xi32, #tpu.memory_space<hbm>> -> memref<64x512xi32, #tpu.memory_space<hbm>>
    tpu.enqueue_dma source(%dma_start3A_18 : memref<64x512xi32, #tpu.memory_space<hbm>>) target(%arg8 : memref<64x512xi32, #tpu.memory_space<vmem>>) target_semaphore(%arg10 : memref<!tpu.dma_semaphore, #tpu.memory_space<semaphore_mem>>)
    %dma_wait3A = arith.constant 0 : i32
    %dma_wait3A_19 = tpu.memref_slice %arg2[%add3A_9, %dma_wait3A] : memref<4096x512xi32, #tpu.memory_space<hbm>> -> memref<64x512xi32, #tpu.memory_space<hbm>>
    %dma_wait3A_20 = arith.constant 0 : i32
    %dma_wait3A_21 = tpu.memref_slice %arg2[%add3A_9, %dma_wait3A_20] : memref<4096x512xi32, #tpu.memory_space<hbm>> -> memref<64x512xi32, #tpu.memory_space<hbm>>
    tpu.wait_dma2 semaphore(%arg9 : memref<!tpu.dma_semaphore, #tpu.memory_space<semaphore_mem>>) src(%dma_wait3A_21 : memref<64x512xi32, #tpu.memory_space<hbm>>) dst(%arg7 : memref<64x512xi32, #tpu.memory_space<vmem>>)
    %dma_start3A_22 = arith.constant 0 : i32
    %dma_start3A_23 = arith.constant 0 : i32
    %dma_start3A_24 = tpu.memref_slice %arg5[%dma_start3A_22, %dma_start3A_23] : memref<2x64xi32, #tpu.memory_space<vmem>> -> memref<1x64xi32, #tpu.memory_space<vmem>>
    %dma_start3A_25 = tpu.memref_squeeze %dma_start3A_24 : memref<1x64xi32, #tpu.memory_space<vmem>> -> memref<64xi32, #tpu.memory_space<vmem>>
    %dma_start3A_26 = arith.constant 0 : i32
    %dma_start3A_27 = arith.constant 0 : i32
    %dma_start3A_28 = tpu.memref_slice %arg4[%dma_start3A_26, %dma_start3A_27] : memref<12288x512xi32, #tpu.memory_space<hbm>> -> memref<12288x512xi32, #tpu.memory_space<hbm>>
    tpu.enqueue_indirect_dma source(%arg7 : memref<64x512xi32, #tpu.memory_space<vmem>>) target(%dma_start3A_28 : memref<12288x512xi32, #tpu.memory_space<hbm>>) offsets(%dma_start3A_25 : memref<64xi32, #tpu.memory_space<vmem>>) semaphore(%arg11 : memref<!tpu.dma_semaphore, #tpu.memory_space<semaphore_mem>>)
    %dma_start3A_29 = arith.constant 0 : i32
    %dma_start3A_30 = arith.constant 0 : i32
    %dma_start3A_31 = tpu.memref_slice %arg6[%dma_start3A_29, %dma_start3A_30] : memref<2x64xi32, #tpu.memory_space<vmem>> -> memref<1x64xi32, #tpu.memory_space<vmem>>
    %dma_start3A_32 = tpu.memref_squeeze %dma_start3A_31 : memref<1x64xi32, #tpu.memory_space<vmem>> -> memref<64xi32, #tpu.memory_space<vmem>>
    %dma_start3A_33 = arith.constant 0 : i32
    %dma_start3A_34 = arith.constant 0 : i32
    %dma_start3A_35 = tpu.memref_slice %arg4[%dma_start3A_33, %dma_start3A_34] : memref<12288x512xi32, #tpu.memory_space<hbm>> -> memref<12288x512xi32, #tpu.memory_space<hbm>>
    tpu.enqueue_indirect_dma source(%arg7 : memref<64x512xi32, #tpu.memory_space<vmem>>) target(%dma_start3A_35 : memref<12288x512xi32, #tpu.memory_space<hbm>>) offsets(%dma_start3A_32 : memref<64xi32, #tpu.memory_space<vmem>>) semaphore(%arg13 : memref<!tpu.dma_semaphore, #tpu.memory_space<semaphore_mem>>)
    %dma_wait3A_36 = arith.constant 0 : i32
    %dma_wait3A_37 = tpu.memref_slice %arg2[%add3A_14, %dma_wait3A_36] : memref<4096x512xi32, #tpu.memory_space<hbm>> -> memref<64x512xi32, #tpu.memory_space<hbm>>
    %dma_wait3A_38 = arith.constant 0 : i32
    %dma_wait3A_39 = tpu.memref_slice %arg2[%add3A_14, %dma_wait3A_38] : memref<4096x512xi32, #tpu.memory_space<hbm>> -> memref<64x512xi32, #tpu.memory_space<hbm>>
    tpu.wait_dma2 semaphore(%arg10 : memref<!tpu.dma_semaphore, #tpu.memory_space<semaphore_mem>>) src(%dma_wait3A_39 : memref<64x512xi32, #tpu.memory_space<hbm>>) dst(%arg8 : memref<64x512xi32, #tpu.memory_space<vmem>>)
    %dma_start3A_40 = arith.constant 1 : i32
    %dma_start3A_41 = arith.constant 0 : i32
    %dma_start3A_42 = tpu.memref_slice %arg5[%dma_start3A_40, %dma_start3A_41] : memref<2x64xi32, #tpu.memory_space<vmem>> -> memref<1x64xi32, #tpu.memory_space<vmem>>
    %dma_start3A_43 = tpu.memref_squeeze %dma_start3A_42 : memref<1x64xi32, #tpu.memory_space<vmem>> -> memref<64xi32, #tpu.memory_space<vmem>>
    %dma_start3A_44 = arith.constant 0 : i32
    %dma_start3A_45 = arith.constant 0 : i32
    %dma_start3A_46 = tpu.memref_slice %arg4[%dma_start3A_44, %dma_start3A_45] : memref<12288x512xi32, #tpu.memory_space<hbm>> -> memref<12288x512xi32, #tpu.memory_space<hbm>>
    tpu.enqueue_indirect_dma source(%arg8 : memref<64x512xi32, #tpu.memory_space<vmem>>) target(%dma_start3A_46 : memref<12288x512xi32, #tpu.memory_space<hbm>>) offsets(%dma_start3A_43 : memref<64xi32, #tpu.memory_space<vmem>>) semaphore(%arg12 : memref<!tpu.dma_semaphore, #tpu.memory_space<semaphore_mem>>)
    %dma_start3A_47 = arith.constant 1 : i32
    %dma_start3A_48 = arith.constant 0 : i32
    %dma_start3A_49 = tpu.memref_slice %arg6[%dma_start3A_47, %dma_start3A_48] : memref<2x64xi32, #tpu.memory_space<vmem>> -> memref<1x64xi32, #tpu.memory_space<vmem>>
    %dma_start3A_50 = tpu.memref_squeeze %dma_start3A_49 : memref<1x64xi32, #tpu.memory_space<vmem>> -> memref<64xi32, #tpu.memory_space<vmem>>
    %dma_start3A_51 = arith.constant 0 : i32
    %dma_start3A_52 = arith.constant 0 : i32
    %dma_start3A_53 = tpu.memref_slice %arg4[%dma_start3A_51, %dma_start3A_52] : memref<12288x512xi32, #tpu.memory_space<hbm>> -> memref<12288x512xi32, #tpu.memory_space<hbm>>
    tpu.enqueue_indirect_dma source(%arg8 : memref<64x512xi32, #tpu.memory_space<vmem>>) target(%dma_start3A_53 : memref<12288x512xi32, #tpu.memory_space<hbm>>) offsets(%dma_start3A_50 : memref<64xi32, #tpu.memory_space<vmem>>) semaphore(%arg14 : memref<!tpu.dma_semaphore, #tpu.memory_space<semaphore_mem>>)
    %dma_wait3A_54 = arith.constant 0 : i32
    %dma_wait3A_55 = arith.constant 0 : i32
    %dma_wait3A_56 = tpu.memref_slice %arg5[%dma_wait3A_54, %dma_wait3A_55] : memref<2x64xi32, #tpu.memory_space<vmem>> -> memref<1x64xi32, #tpu.memory_space<vmem>>
    %dma_wait3A_57 = tpu.memref_squeeze %dma_wait3A_56 : memref<1x64xi32, #tpu.memory_space<vmem>> -> memref<64xi32, #tpu.memory_space<vmem>>
    %dma_wait3A_58 = arith.constant 0 : i32
    %dma_wait3A_59 = arith.constant 0 : i32
    %dma_wait3A_60 = tpu.memref_slice %arg4[%dma_wait3A_58, %dma_wait3A_59] : memref<12288x512xi32, #tpu.memory_space<hbm>> -> memref<12288x512xi32, #tpu.memory_space<hbm>>
    tpu.wait_indirect_dma semaphore(%arg11 : memref<!tpu.dma_semaphore, #tpu.memory_space<semaphore_mem>>) src(%arg7 : memref<64x512xi32, #tpu.memory_space<vmem>>) dst(%dma_wait3A_60 : memref<12288x512xi32, #tpu.memory_space<hbm>>)
    %dma_wait3A_61 = arith.constant 0 : i32
    %dma_wait3A_62 = arith.constant 0 : i32
    %dma_wait3A_63 = tpu.memref_slice %arg6[%dma_wait3A_61, %dma_wait3A_62] : memref<2x64xi32, #tpu.memory_space<vmem>> -> memref<1x64xi32, #tpu.memory_space<vmem>>
    %dma_wait3A_64 = tpu.memref_squeeze %dma_wait3A_63 : memref<1x64xi32, #tpu.memory_space<vmem>> -> memref<64xi32, #tpu.memory_space<vmem>>
    %dma_wait3A_65 = arith.constant 0 : i32
    %dma_wait3A_66 = arith.constant 0 : i32
    %dma_wait3A_67 = tpu.memref_slice %arg4[%dma_wait3A_65, %dma_wait3A_66] : memref<12288x512xi32, #tpu.memory_space<hbm>> -> memref<12288x512xi32, #tpu.memory_space<hbm>>
    tpu.wait_indirect_dma semaphore(%arg13 : memref<!tpu.dma_semaphore, #tpu.memory_space<semaphore_mem>>) src(%arg7 : memref<64x512xi32, #tpu.memory_space<vmem>>) dst(%dma_wait3A_67 : memref<12288x512xi32, #tpu.memory_space<hbm>>)
    %dma_wait3A_68 = arith.constant 1 : i32
    %dma_wait3A_69 = arith.constant 0 : i32
    %dma_wait3A_70 = tpu.memref_slice %arg5[%dma_wait3A_68, %dma_wait3A_69] : memref<2x64xi32, #tpu.memory_space<vmem>> -> memref<1x64xi32, #tpu.memory_space<vmem>>
    %dma_wait3A_71 = tpu.memref_squeeze %dma_wait3A_70 : memref<1x64xi32, #tpu.memory_space<vmem>> -> memref<64xi32, #tpu.memory_space<vmem>>
    %dma_wait3A_72 = arith.constant 0 : i32
    %dma_wait3A_73 = arith.constant 0 : i32
    %dma_wait3A_74 = tpu.memref_slice %arg4[%dma_wait3A_72, %dma_wait3A_73] : memref<12288x512xi32, #tpu.memory_space<hbm>> -> memref<12288x512xi32, #tpu.memory_space<hbm>>
    tpu.wait_indirect_dma semaphore(%arg12 : memref<!tpu.dma_semaphore, #tpu.memory_space<semaphore_mem>>) src(%arg8 : memref<64x512xi32, #tpu.memory_space<vmem>>) dst(%dma_wait3A_74 : memref<12288x512xi32, #tpu.memory_space<hbm>>)
    %dma_wait3A_75 = arith.constant 1 : i32
    %dma_wait3A_76 = arith.constant 0 : i32
    %dma_wait3A_77 = tpu.memref_slice %arg6[%dma_wait3A_75, %dma_wait3A_76] : memref<2x64xi32, #tpu.memory_space<vmem>> -> memref<1x64xi32, #tpu.memory_space<vmem>>
    %dma_wait3A_78 = tpu.memref_squeeze %dma_wait3A_77 : memref<1x64xi32, #tpu.memory_space<vmem>> -> memref<64xi32, #tpu.memory_space<vmem>>
    %dma_wait3A_79 = arith.constant 0 : i32
    %dma_wait3A_80 = arith.constant 0 : i32
    %dma_wait3A_81 = tpu.memref_slice %arg4[%dma_wait3A_79, %dma_wait3A_80] : memref<12288x512xi32, #tpu.memory_space<hbm>> -> memref<12288x512xi32, #tpu.memory_space<hbm>>
    tpu.wait_indirect_dma semaphore(%arg14 : memref<!tpu.dma_semaphore, #tpu.memory_space<semaphore_mem>>) src(%arg8 : memref<64x512xi32, #tpu.memory_space<vmem>>) dst(%dma_wait3A_81 : memref<12288x512xi32, #tpu.memory_space<hbm>>)
    return
  }
}

module attributes {stable_mosaic.version = 14 : i64} {
  func.func @_router_body(%arg0: i32, %arg1: memref<1024x1024xf32, #tpu.memory_space<vmem>>, %arg2: memref<1024x8xf32, #tpu.memory_space<vmem>>, %arg3: memref<1024x512xi32, #tpu.memory_space<vmem>>, %arg4: memref<1024x1xf32, #tpu.memory_space<vmem>>, %arg5: memref<1024x1xf32, #tpu.memory_space<vmem>>, %arg6: memref<4096x1xi32, #tpu.memory_space<vmem>>, %arg7: memref<4096x1xi32, #tpu.memory_space<vmem>>, %arg8: memref<8x24xi32, #tpu.memory_space<vmem>>, %arg9: memref<8x8xf32, #tpu.memory_space<vmem>>, %arg10: memref<4096x1xi32, #tpu.memory_space<vmem>>, %arg11: memref<4096x1xi32, #tpu.memory_space<vmem>>, %arg12: memref<4096x1xi32, #tpu.memory_space<vmem>>, %arg13: memref<4096x1xi32, #tpu.memory_space<vmem>>) attributes {dimension_semantics = [#tpu.dimension_semantics<arbitrary>], iteration_bounds = array<i64: 5>, scalar_prefetch = 0 : i64, scratch_operands = 5 : i64, tpu.core_type = #tpu.core_type<tc>, window_params = [{transform_indices = @transform_0, window_bounds = array<i64: 1024, 1024>}, {pipeline_mode = #tpu.pipeline_mode<synchronous>, transform_indices = @transform_1, window_bounds = array<i64: 1024, 8>}, {transform_indices = @transform_2, window_bounds = array<i64: 1024, 512>}, {transform_indices = @transform_3, window_bounds = array<i64: 1024, 1>}, {transform_indices = @transform_4, window_bounds = array<i64: 1024, 1>}, {pipeline_mode = #tpu.pipeline_mode<synchronous>, transform_indices = @transform_5, window_bounds = array<i64: 4096, 1>}, {pipeline_mode = #tpu.pipeline_mode<synchronous>, transform_indices = @transform_6, window_bounds = array<i64: 4096, 1>}, {pipeline_mode = #tpu.pipeline_mode<synchronous>, transform_indices = @transform_7, window_bounds = array<i64: 8, 24>}]} {
    %eq3A = arith.constant 0 : i32
    %eq3A_0 = arith.cmpi eq, %arg0, %eq3A : i32
    %convert_element_type3A = arith.extui %eq3A_0 : i1 to i32
    %cond3A = arith.constant 0 : i32
    %cond3A_1 = arith.cmpi ne, %convert_element_type3A, %cond3A : i32
    scf.if %cond3A_1 {
      %broadcast_in_dim3A = arith.constant 0.000000e+00 : f32
      %broadcast_in_dim3A_11 = vector.broadcast %broadcast_in_dim3A : f32 to vector<8x8xf32>
      %swap3A = arith.constant 0 : index
      %swap3A_12 = arith.constant 0 : index
      %swap3A_13 = vector.load %arg9[%swap3A, %swap3A_12] : memref<8x8xf32, #tpu.memory_space<vmem>>, vector<8x8xf32>
      tpu.vector_store %arg9[%swap3A, %swap3A_12], %broadcast_in_dim3A_11 {strides = array<i32>} : memref<8x8xf32, #tpu.memory_space<vmem>>, vector<8x8xf32>,
    } else {
    }
    %lt3A = arith.constant 4 : i32
    %lt3A_2 = arith.cmpi slt, %arg0, %lt3A : i32
    %convert_element_type3A_3 = arith.extui %lt3A_2 : i1 to i32
    %cond3A_4 = arith.constant 0 : i32
    %cond3A_5 = arith.cmpi ne, %convert_element_type3A_3, %cond3A_4 : i32
    scf.if %cond3A_5 {
      %get3A = arith.constant 0 : index
      %get3A_11 = arith.constant 0 : index
      %get3A_12 = vector.load %arg1[%get3A, %get3A_11] : memref<1024x1024xf32, #tpu.memory_space<vmem>>, vector<1024x1024xf32>
      %get3A_13 = arith.constant 0 : index
      %get3A_14 = arith.constant 0 : index
      %get3A_15 = vector.load %arg2[%get3A_13, %get3A_14] : memref<1024x8xf32, #tpu.memory_space<vmem>>, vector<1024x8xf32>
      %dot_general3A = arith.constant dense<0.000000e+00> : vector<1024x8xf32>
      %dot_general3A_16 = tpu.matmul %get3A_12, %get3A_15, %dot_general3A {dimension_numbers = #tpu.dot_dimension_numbers<[1], [0], [0], [1], [0, 0, 1, 1], [], []>, transpose_lhs_hint = false} : vector<1024x1024xf32>, vector<1024x8xf32>, vector<1024x8xf32> -> vector<1024x8xf32>
      %iota3A = tpu.iota {dimensions = array<i32: 1>} : vector<1024x8xi32>
      %reduce_max3A = arith.constant dense<0xFF800000> : vector<1024xf32>
      %reduce_max3A_17 = vector.multi_reduction <maximumf>, %dot_general3A_16, %reduce_max3A [1] : vector<1024x8xf32> to vector<1024xf32>
      %broadcast_in_dim3A = vector.shape_cast %reduce_max3A_17 : vector<1024xf32> to vector<1024x1xf32>
      %eq3A_18 = vector.broadcast %broadcast_in_dim3A : vector<1024x1xf32> to vector<1024x8xf32>
      %eq3A_19 = arith.cmpf oeq, %dot_general3A_16, %eq3A_18 : vector<1024x8xf32>
      %jit3A = arith.constant 8 : i32
      %broadcast_in_dim3A_20 = vector.broadcast %jit3A : i32 to vector<1024x8xi32>
      %select_n3A = arith.select %eq3A_19, %iota3A, %broadcast_in_dim3A_20 : vector<1024x8xi1>, vector<1024x8xi32>
      %reduce_min3A = arith.constant dense<2147483647> : vector<1024xi32>
      %reduce_min3A_21 = vector.multi_reduction <minsi>, %select_n3A, %reduce_min3A [1] : vector<1024x8xi32> to vector<1024xi32>
      %broadcast_in_dim3A_22 = vector.shape_cast %reduce_min3A_21 : vector<1024xi32> to vector<1024x1xi32>
      %eq3A_23 = vector.broadcast %broadcast_in_dim3A_22 : vector<1024x1xi32> to vector<1024x8xi32>
      %eq3A_24 = arith.cmpi eq, %iota3A, %eq3A_23 : vector<1024x8xi32>
      %jit3A_25 = arith.constant -1.000000e+30 : f32
      %broadcast_in_dim3A_26 = vector.broadcast %jit3A_25 : f32 to vector<1024x8xf32>
      %select_n3A_27 = arith.select %eq3A_24, %broadcast_in_dim3A_26, %dot_general3A_16 : vector<1024x8xi1>, vector<1024x8xf32>
      %reduce_max3A_28 = arith.constant dense<0xFF800000> : vector<1024xf32>
      %reduce_max3A_29 = vector.multi_reduction <maximumf>, %select_n3A_27, %reduce_max3A_28 [1] : vector<1024x8xf32> to vector<1024xf32>
      %broadcast_in_dim3A_30 = vector.shape_cast %reduce_max3A_29 : vector<1024xf32> to vector<1024x1xf32>
      %eq3A_31 = vector.broadcast %broadcast_in_dim3A_30 : vector<1024x1xf32> to vector<1024x8xf32>
      %eq3A_32 = arith.cmpf oeq, %select_n3A_27, %eq3A_31 : vector<1024x8xf32>
      %jit3A_33 = arith.constant 8 : i32
      %broadcast_in_dim3A_34 = vector.broadcast %jit3A_33 : i32 to vector<1024x8xi32>
      %select_n3A_35 = arith.select %eq3A_32, %iota3A, %broadcast_in_dim3A_34 : vector<1024x8xi1>, vector<1024x8xi32>
      %reduce_min3A_36 = arith.constant dense<2147483647> : vector<1024xi32>
      %reduce_min3A_37 = vector.multi_reduction <minsi>, %select_n3A_35, %reduce_min3A_36 [1] : vector<1024x8xi32> to vector<1024xi32>
      %broadcast_in_dim3A_38 = vector.shape_cast %reduce_min3A_37 : vector<1024xi32> to vector<1024x1xi32>
      %sub3A = arith.subf %broadcast_in_dim3A, %broadcast_in_dim3A_30 : vector<1024x1xf32>
      %logistic3A = arith.negf %sub3A : vector<1024x1xf32>
      %logistic3A_39 = math.exp %logistic3A : vector<1024x1xf32>
      %logistic3A_40 = arith.constant 1.000000e+00 : f32
      %logistic3A_41 = vector.broadcast %logistic3A_40 : f32 to vector<1024x1xf32>
      %logistic3A_42 = arith.addf %logistic3A_41, %logistic3A_39 : vector<1024x1xf32>
      %logistic3A_43 = arith.divf %logistic3A_41, %logistic3A_42 : vector<1024x1xf32>
      %eq3A_44 = vector.broadcast %broadcast_in_dim3A_22 : vector<1024x1xi32> to vector<1024x8xi32>
      %eq3A_45 = arith.cmpi eq, %iota3A, %eq3A_44 : vector<1024x8xi32>
      %convert_element_type3A_46 = arith.extui %eq3A_45 : vector<1024x8xi1> to vector<1024x8xi32>
      %convert_element_type3A_47 = arith.sitofp %convert_element_type3A_46 : vector<1024x8xi32> to vector<1024x8xf32>
      %eq3A_48 = vector.broadcast %broadcast_in_dim3A_38 : vector<1024x1xi32> to vector<1024x8xi32>
      %eq3A_49 = arith.cmpi eq, %iota3A, %eq3A_48 : vector<1024x8xi32>
      %convert_element_type3A_50 = arith.extui %eq3A_49 : vector<1024x8xi1> to vector<1024x8xi32>
      %convert_element_type3A_51 = arith.sitofp %convert_element_type3A_50 : vector<1024x8xi32> to vector<1024x8xf32>
      %add3A = arith.addf %convert_element_type3A_47, %convert_element_type3A_51 : vector<1024x8xf32>
      %broadcast_in_dim3A_52 = arith.constant 0.000000e+00 : f32
      %broadcast_in_dim3A_53 = vector.broadcast %broadcast_in_dim3A_52 : f32 to vector<1x8xf32>
      %slice3A = vector.extract_strided_slice %add3A {offsets = [0, 0], sizes = [1023, 8], strides = [1, 1]} : vector<1024x8xf32> to vector<1023x8xf32>
      %concatenate3A = tpu.concatenate %broadcast_in_dim3A_53, %slice3A in 0 : vector<1x8xf32>, vector<1023x8xf32> -> vector<1024x8xf32>
      %add3A_54 = arith.addf %add3A, %concatenate3A : vector<1024x8xf32>
      %broadcast_in_dim3A_55 = arith.constant 0.000000e+00 : f32
      %broadcast_in_dim3A_56 = vector.broadcast %broadcast_in_dim3A_55 : f32 to vector<2x8xf32>
      %slice3A_57 = vector.extract_strided_slice %add3A_54 {offsets = [0, 0], sizes = [1022, 8], strides = [1, 1]} : vector<1024x8xf32> to vector<1022x8xf32>
      %concatenate3A_58 = tpu.concatenate %broadcast_in_dim3A_56, %slice3A_57 in 0 : vector<2x8xf32>, vector<1022x8xf32> -> vector<1024x8xf32>
      %add3A_59 = arith.addf %add3A_54, %concatenate3A_58 : vector<1024x8xf32>
      %broadcast_in_dim3A_60 = arith.constant 0.000000e+00 : f32
      %broadcast_in_dim3A_61 = vector.broadcast %broadcast_in_dim3A_60 : f32 to vector<4x8xf32>
      %slice3A_62 = vector.extract_strided_slice %add3A_59 {offsets = [0, 0], sizes = [1020, 8], strides = [1, 1]} : vector<1024x8xf32> to vector<1020x8xf32>
      %concatenate3A_63 = tpu.concatenate %broadcast_in_dim3A_61, %slice3A_62 in 0 : vector<4x8xf32>, vector<1020x8xf32> -> vector<1024x8xf32>
      %add3A_64 = arith.addf %add3A_59, %concatenate3A_63 : vector<1024x8xf32>
      %broadcast_in_dim3A_65 = arith.constant 0.000000e+00 : f32
      %broadcast_in_dim3A_66 = vector.broadcast %broadcast_in_dim3A_65 : f32 to vector<8x8xf32>
      %slice3A_67 = vector.extract_strided_slice %add3A_64 {offsets = [0, 0], sizes = [1016, 8], strides = [1, 1]} : vector<1024x8xf32> to vector<1016x8xf32>
      %concatenate3A_68 = tpu.concatenate %broadcast_in_dim3A_66, %slice3A_67 in 0 : vector<8x8xf32>, vector<1016x8xf32> -> vector<1024x8xf32>
      %add3A_69 = arith.addf %add3A_64, %concatenate3A_68 : vector<1024x8xf32>
      %broadcast_in_dim3A_70 = arith.constant 0.000000e+00 : f32
      %broadcast_in_dim3A_71 = vector.broadcast %broadcast_in_dim3A_70 : f32 to vector<16x8xf32>
      %slice3A_72 = vector.extract_strided_slice %add3A_69 {offsets = [0, 0], sizes = [1008, 8], strides = [1, 1]} : vector<1024x8xf32> to vector<1008x8xf32>
      %concatenate3A_73 = tpu.concatenate %broadcast_in_dim3A_71, %slice3A_72 in 0 : vector<16x8xf32>, vector<1008x8xf32> -> vector<1024x8xf32>
      %add3A_74 = arith.addf %add3A_69, %concatenate3A_73 : vector<1024x8xf32>
      %broadcast_in_dim3A_75 = arith.constant 0.000000e+00 : f32
      %broadcast_in_dim3A_76 = vector.broadcast %broadcast_in_dim3A_75 : f32 to vector<32x8xf32>
      %slice3A_77 = vector.extract_strided_slice %add3A_74 {offsets = [0, 0], sizes = [992, 8], strides = [1, 1]} : vector<1024x8xf32> to vector<992x8xf32>
      %concatenate3A_78 = tpu.concatenate %broadcast_in_dim3A_76, %slice3A_77 in 0 : vector<32x8xf32>, vector<992x8xf32> -> vector<1024x8xf32>
      %add3A_79 = arith.addf %add3A_74, %concatenate3A_78 : vector<1024x8xf32>
      %broadcast_in_dim3A_80 = arith.constant 0.000000e+00 : f32
      %broadcast_in_dim3A_81 = vector.broadcast %broadcast_in_dim3A_80 : f32 to vector<64x8xf32>
      %slice3A_82 = vector.extract_strided_slice %add3A_79 {offsets = [0, 0], sizes = [960, 8], strides = [1, 1]} : vector<1024x8xf32> to vector<960x8xf32>
      %concatenate3A_83 = tpu.concatenate %broadcast_in_dim3A_81, %slice3A_82 in 0 : vector<64x8xf32>, vector<960x8xf32> -> vector<1024x8xf32>
      %add3A_84 = arith.addf %add3A_79, %concatenate3A_83 : vector<1024x8xf32>
      %broadcast_in_dim3A_85 = arith.constant 0.000000e+00 : f32
      %broadcast_in_dim3A_86 = vector.broadcast %broadcast_in_dim3A_85 : f32 to vector<128x8xf32>
      %slice3A_87 = vector.extract_strided_slice %add3A_84 {offsets = [0, 0], sizes = [896, 8], strides = [1, 1]} : vector<1024x8xf32> to vector<896x8xf32>
      %concatenate3A_88 = tpu.concatenate %broadcast_in_dim3A_86, %slice3A_87 in 0 : vector<128x8xf32>, vector<896x8xf32> -> vector<1024x8xf32>
      %add3A_89 = arith.addf %add3A_84, %concatenate3A_88 : vector<1024x8xf32>
      %broadcast_in_dim3A_90 = arith.constant 0.000000e+00 : f32
      %broadcast_in_dim3A_91 = vector.broadcast %broadcast_in_dim3A_90 : f32 to vector<256x8xf32>
      %slice3A_92 = vector.extract_strided_slice %add3A_89 {offsets = [0, 0], sizes = [768, 8], strides = [1, 1]} : vector<1024x8xf32> to vector<768x8xf32>
      %concatenate3A_93 = tpu.concatenate %broadcast_in_dim3A_91, %slice3A_92 in 0 : vector<256x8xf32>, vector<768x8xf32> -> vector<1024x8xf32>
      %add3A_94 = arith.addf %add3A_89, %concatenate3A_93 : vector<1024x8xf32>
      %broadcast_in_dim3A_95 = arith.constant 0.000000e+00 : f32
      %broadcast_in_dim3A_96 = vector.broadcast %broadcast_in_dim3A_95 : f32 to vector<512x8xf32>
      %slice3A_97 = vector.extract_strided_slice %add3A_94 {offsets = [0, 0], sizes = [512, 8], strides = [1, 1]} : vector<1024x8xf32> to vector<512x8xf32>
      %concatenate3A_98 = tpu.concatenate %broadcast_in_dim3A_96, %slice3A_97 in 0 : vector<512x8xf32>, vector<512x8xf32> -> vector<1024x8xf32>
      %add3A_99 = arith.addf %add3A_94, %concatenate3A_98 : vector<1024x8xf32>
      %sub3A_100 = arith.subf %add3A_99, %add3A : vector<1024x8xf32>
      %get3A_101 = arith.constant 0 : index
      %get3A_102 = arith.constant 0 : index
      %get3A_103 = vector.load %arg9[%get3A_101, %get3A_102] : memref<8x8xf32, #tpu.memory_space<vmem>>, vector<1x8xf32>
      %add3A_104 = vector.broadcast %get3A_103 : vector<1x8xf32> to vector<1024x8xf32>
      %add3A_105 = arith.addf %sub3A_100, %add3A_104 : vector<1024x8xf32>
      %mul3A = arith.mulf %add3A_105, %convert_element_type3A_47 : vector<1024x8xf32>
      %reduce_sum3A = arith.constant dense<0.000000e+00> : vector<1024xf32>
      %reduce_sum3A_106 = vector.multi_reduction <add>, %mul3A, %reduce_sum3A [1] : vector<1024x8xf32> to vector<1024xf32>
      %broadcast_in_dim3A_107 = vector.shape_cast %reduce_sum3A_106 : vector<1024xf32> to vector<1024x1xf32>
      %mul3A_108 = arith.mulf %add3A_105, %convert_element_type3A_51 : vector<1024x8xf32>
      %reduce_sum3A_109 = arith.constant dense<0.000000e+00> : vector<1024xf32>
      %reduce_sum3A_110 = vector.multi_reduction <add>, %mul3A_108, %reduce_sum3A_109 [1] : vector<1024x8xf32> to vector<1024xf32>
      %broadcast_in_dim3A_111 = vector.shape_cast %reduce_sum3A_110 : vector<1024xf32> to vector<1024x1xf32>
      %get3A_112 = arith.constant 0 : index
      %get3A_113 = arith.constant 0 : index
      %get3A_114 = vector.load %arg9[%get3A_112, %get3A_113] : memref<8x8xf32, #tpu.memory_space<vmem>>, vector<1x8xf32>
      %reduce_sum3A_115 = arith.constant dense<0.000000e+00> : vector<8xf32>
      %reduce_sum3A_116 = vector.multi_reduction <add>, %add3A, %reduce_sum3A_115 [0] : vector<1024x8xf32> to vector<8xf32>
      %broadcast_in_dim3A_117 = vector.shape_cast %reduce_sum3A_116 : vector<8xf32> to vector<1x8xf32>
      %add3A_118 = arith.addf %get3A_114, %broadcast_in_dim3A_117 : vector<1x8xf32>
      %broadcast_in_dim3A_119 = vector.shape_cast %add3A_118 : vector<1x8xf32> to vector<1x8xf32>
      %broadcast_in_dim3A_120 = vector.broadcast %broadcast_in_dim3A_119 : vector<1x8xf32> to vector<8x8xf32>
      %swap3A = arith.constant 0 : index
      %swap3A_121 = arith.constant 0 : index
      %swap3A_122 = vector.load %arg9[%swap3A, %swap3A_121] : memref<8x8xf32, #tpu.memory_space<vmem>>, vector<8x8xf32>
      tpu.vector_store %arg9[%swap3A, %swap3A_121], %broadcast_in_dim3A_120 {strides = array<i32>} : memref<8x8xf32, #tpu.memory_space<vmem>>, vector<8x8xf32>,
      %mul3A_123 = arith.constant 1024 : i32
      %mul3A_124 = arith.muli %arg0, %mul3A_123 : i32
      %swap3A_125 = arith.index_cast %mul3A_124 : i32 to index
      %swap3A_126 = arith.constant 0 : index
      %swap3A_127 = vector.load %arg10[%swap3A_125, %swap3A_126] : memref<4096x1xi32, #tpu.memory_space<vmem>>, vector<1024x1xi32>
      tpu.vector_store %arg10[%swap3A_125, %swap3A_126], %broadcast_in_dim3A_22 {strides = array<i32>} : memref<4096x1xi32, #tpu.memory_space<vmem>>, vector<1024x1xi32>,
      %swap3A_128 = arith.index_cast %mul3A_124 : i32 to index
      %swap3A_129 = arith.constant 0 : index
      %swap3A_130 = vector.load %arg11[%swap3A_128, %swap3A_129] : memref<4096x1xi32, #tpu.memory_space<vmem>>, vector<1024x1xi32>
      tpu.vector_store %arg11[%swap3A_128, %swap3A_129], %broadcast_in_dim3A_38 {strides = array<i32>} : memref<4096x1xi32, #tpu.memory_space<vmem>>, vector<1024x1xi32>,
      %convert_element_type3A_131 = arith.fptosi %broadcast_in_dim3A_107 : vector<1024x1xf32> to vector<1024x1xi32>
      %swap3A_132 = arith.index_cast %mul3A_124 : i32 to index
      %swap3A_133 = arith.constant 0 : index
      %swap3A_134 = vector.load %arg12[%swap3A_132, %swap3A_133] : memref<4096x1xi32, #tpu.memory_space<vmem>>, vector<1024x1xi32>
      tpu.vector_store %arg12[%swap3A_132, %swap3A_133], %convert_element_type3A_131 {strides = array<i32>} : memref<4096x1xi32, #tpu.memory_space<vmem>>, vector<1024x1xi32>,
      %convert_element_type3A_135 = arith.fptosi %broadcast_in_dim3A_111 : vector<1024x1xf32> to vector<1024x1xi32>
      %swap3A_136 = arith.index_cast %mul3A_124 : i32 to index
      %swap3A_137 = arith.constant 0 : index
      %swap3A_138 = vector.load %arg13[%swap3A_136, %swap3A_137] : memref<4096x1xi32, #tpu.memory_space<vmem>>, vector<1024x1xi32>
      tpu.vector_store %arg13[%swap3A_136, %swap3A_137], %convert_element_type3A_135 {strides = array<i32>} : memref<4096x1xi32, #tpu.memory_space<vmem>>, vector<1024x1xi32>,
      %swap3A_139 = arith.constant 0 : index
      %swap3A_140 = arith.constant 0 : index
      %swap3A_141 = vector.load %arg4[%swap3A_139, %swap3A_140] : memref<1024x1xf32, #tpu.memory_space<vmem>>, vector<1024x1xf32>
      tpu.vector_store %arg4[%swap3A_139, %swap3A_140], %logistic3A_43 {strides = array<i32>} : memref<1024x1xf32, #tpu.memory_space<vmem>>, vector<1024x1xf32>,
      %sub3A_142 = arith.constant 1.000000e+00 : f32
      %sub3A_143 = vector.broadcast %sub3A_142 : f32 to vector<1024x1xf32>
      %sub3A_144 = arith.subf %sub3A_143, %logistic3A_43 : vector<1024x1xf32>
      %swap3A_145 = arith.constant 0 : index
      %swap3A_146 = arith.constant 0 : index
      %swap3A_147 = vector.load %arg5[%swap3A_145, %swap3A_146] : memref<1024x1xf32, #tpu.memory_space<vmem>>, vector<1024x1xf32>
      tpu.vector_store %arg5[%swap3A_145, %swap3A_146], %sub3A_144 {strides = array<i32>} : memref<1024x1xf32, #tpu.memory_space<vmem>>, vector<1024x1xf32>,
      %convert_element_type3A_148 = arith.truncf %get3A_12 : vector<1024x1024xf32> to vector<1024x1024xbf16>
      %slice3A_149 = vector.extract_strided_slice %convert_element_type3A_148 {offsets = [0, 0], sizes = [1024, 512], strides = [1, 1]} : vector<1024x1024xbf16> to vector<1024x512xbf16>
      %bitcast_convert_type3A = tpu.bitcast %slice3A_149 : vector<1024x512xbf16> -> vector<1024x512xi16>
      %convert_element_type3A_150 = arith.extui %bitcast_convert_type3A : vector<1024x512xi16> to vector<1024x512xi32>
      %slice3A_151 = vector.extract_strided_slice %convert_element_type3A_148 {offsets = [0, 512], sizes = [1024, 512], strides = [1, 1]} : vector<1024x1024xbf16> to vector<1024x512xbf16>
      %bitcast_convert_type3A_152 = tpu.bitcast %slice3A_151 : vector<1024x512xbf16> -> vector<1024x512xi16>
      %convert_element_type3A_153 = arith.extui %bitcast_convert_type3A_152 : vector<1024x512xi16> to vector<1024x512xi32>
      %shift_left3A = arith.constant 16 : i32
      %shift_left3A_154 = vector.broadcast %shift_left3A : i32 to vector<1024x512xi32>
      %shift_left3A_155 = arith.shli %convert_element_type3A_153, %shift_left3A_154 : vector<1024x512xi32>
      %or3A = arith.ori %convert_element_type3A_150, %shift_left3A_155 : vector<1024x512xi32>
      %bitcast_convert_type3A_156 = tpu.bitcast %or3A : vector<1024x512xi32> -> vector<1024x512xi32>
      %swap3A_157 = arith.constant 0 : index
      %swap3A_158 = arith.constant 0 : index
      %swap3A_159 = vector.load %arg3[%swap3A_157, %swap3A_158] : memref<1024x512xi32, #tpu.memory_space<vmem>>, vector<1024x512xi32>
      tpu.vector_store %arg3[%swap3A_157, %swap3A_158], %bitcast_convert_type3A_156 {strides = array<i32>} : memref<1024x512xi32, #tpu.memory_space<vmem>>, vector<1024x512xi32>,
    } else {
    }
    %eq3A_6 = arith.constant 4 : i32
    %eq3A_7 = arith.cmpi eq, %arg0, %eq3A_6 : i32
    %convert_element_type3A_8 = arith.extui %eq3A_7 : i1 to i32
    %cond3A_9 = arith.constant 0 : i32
    %cond3A_10 = arith.cmpi ne, %convert_element_type3A_8, %cond3A_9 : i32
    scf.if %cond3A_10 {
      %get3A = arith.constant 0 : index
      %get3A_11 = arith.constant 0 : index
      %get3A_12 = vector.load %arg9[%get3A, %get3A_11] : memref<8x8xf32, #tpu.memory_space<vmem>>, vector<1x8xf32>
      %div3A = arith.constant 5.120000e+02 : f32
      %div3A_13 = vector.broadcast %div3A : f32 to vector<1x8xf32>
      %div3A_14 = arith.divf %get3A_12, %div3A_13 : vector<1x8xf32>
      %ceil3A = math.ceil %div3A_14 : vector<1x8xf32>
      %iota3A = tpu.iota {dimensions = array<i32: 0>} : vector<8x8xi32>
      %iota3A_15 = tpu.iota {dimensions = array<i32: 1>} : vector<8x8xi32>
      %le3A = arith.cmpi sle, %iota3A, %iota3A_15 : vector<8x8xi32>
      %convert_element_type3A_16 = arith.extui %le3A : vector<8x8xi1> to vector<8x8xi32>
      %convert_element_type3A_17 = arith.sitofp %convert_element_type3A_16 : vector<8x8xi32> to vector<8x8xf32>
      %dot_general3A = arith.constant dense<0.000000e+00> : vector<1x8xf32>
      %dot_general3A_18 = tpu.matmul %ceil3A, %convert_element_type3A_17, %dot_general3A {dimension_numbers = #tpu.dot_dimension_numbers<[1], [0], [0], [1], [0, 0, 1, 1], [], []>, precision = #tpu.contract_precision<fp32>, transpose_lhs_hint = false} : vector<1x8xf32>, vector<8x8xf32>, vector<1x8xf32> -> vector<1x8xf32>
      %sub3A = arith.subf %dot_general3A_18, %ceil3A : vector<1x8xf32>
      %mul3A = arith.constant 5.120000e+02 : f32
      %mul3A_19 = vector.broadcast %mul3A : f32 to vector<1x8xf32>
      %mul3A_20 = arith.mulf %sub3A, %mul3A_19 : vector<1x8xf32>
      %iota3A_21 = tpu.iota {dimensions = array<i32: 1>} : vector<4096x8xi32>
      %get3A_22 = arith.constant 0 : index
      %get3A_23 = arith.constant 0 : index
      %get3A_24 = vector.load %arg10[%get3A_22, %get3A_23] : memref<4096x1xi32, #tpu.memory_space<vmem>>, vector<4096x1xi32>
      %eq3A_25 = vector.broadcast %get3A_24 : vector<4096x1xi32> to vector<4096x8xi32>
      %eq3A_26 = arith.cmpi eq, %iota3A_21, %eq3A_25 : vector<4096x8xi32>
      %get3A_27 = arith.constant 0 : index
      %get3A_28 = arith.constant 0 : index
      %get3A_29 = vector.load %arg11[%get3A_27, %get3A_28] : memref<4096x1xi32, #tpu.memory_space<vmem>>, vector<4096x1xi32>
      %eq3A_30 = vector.broadcast %get3A_29 : vector<4096x1xi32> to vector<4096x8xi32>
      %eq3A_31 = arith.cmpi eq, %iota3A_21, %eq3A_30 : vector<4096x8xi32>
      %jit3A = arith.constant 0.000000e+00 : f32
      %broadcast_in_dim3A = vector.shape_cast %mul3A_20 : vector<1x8xf32> to vector<1x8xf32>
      %broadcast_in_dim3A_32 = vector.broadcast %broadcast_in_dim3A : vector<1x8xf32> to vector<4096x8xf32>
      %broadcast_in_dim3A_33 = vector.broadcast %jit3A : f32 to vector<4096x8xf32>
      %select_n3A = arith.select %eq3A_26, %broadcast_in_dim3A_32, %broadcast_in_dim3A_33 : vector<4096x8xi1>, vector<4096x8xf32>
      %reduce_sum3A = arith.constant dense<0.000000e+00> : vector<4096xf32>
      %reduce_sum3A_34 = vector.multi_reduction <add>, %select_n3A, %reduce_sum3A [1] : vector<4096x8xf32> to vector<4096xf32>
      %broadcast_in_dim3A_35 = vector.shape_cast %reduce_sum3A_34 : vector<4096xf32> to vector<4096x1xf32>
      %jit3A_36 = arith.constant 0.000000e+00 : f32
      %broadcast_in_dim3A_37 = vector.shape_cast %mul3A_20 : vector<1x8xf32> to vector<1x8xf32>
      %broadcast_in_dim3A_38 = vector.broadcast %broadcast_in_dim3A_37 : vector<1x8xf32> to vector<4096x8xf32>
      %broadcast_in_dim3A_39 = vector.broadcast %jit3A_36 : f32 to vector<4096x8xf32>
      %select_n3A_40 = arith.select %eq3A_31, %broadcast_in_dim3A_38, %broadcast_in_dim3A_39 : vector<4096x8xi1>, vector<4096x8xf32>
      %reduce_sum3A_41 = arith.constant dense<0.000000e+00> : vector<4096xf32>
      %reduce_sum3A_42 = vector.multi_reduction <add>, %select_n3A_40, %reduce_sum3A_41 [1] : vector<4096x8xf32> to vector<4096xf32>
      %broadcast_in_dim3A_43 = vector.shape_cast %reduce_sum3A_42 : vector<4096xf32> to vector<4096x1xf32>
      %convert_element_type3A_44 = arith.fptosi %broadcast_in_dim3A_35 : vector<4096x1xf32> to vector<4096x1xi32>
      %get3A_45 = arith.constant 0 : index
      %get3A_46 = arith.constant 0 : index
      %get3A_47 = vector.load %arg12[%get3A_45, %get3A_46] : memref<4096x1xi32, #tpu.memory_space<vmem>>, vector<4096x1xi32>
      %add3A = arith.addi %convert_element_type3A_44, %get3A_47 : vector<4096x1xi32>
      %swap3A = arith.constant 0 : index
      %swap3A_48 = arith.constant 0 : index
      %swap3A_49 = vector.load %arg6[%swap3A, %swap3A_48] : memref<4096x1xi32, #tpu.memory_space<vmem>>, vector<4096x1xi32>
      tpu.vector_store %arg6[%swap3A, %swap3A_48], %add3A {strides = array<i32>} : memref<4096x1xi32, #tpu.memory_space<vmem>>, vector<4096x1xi32>,
      %convert_element_type3A_50 = arith.fptosi %broadcast_in_dim3A_43 : vector<4096x1xf32> to vector<4096x1xi32>
      %get3A_51 = arith.constant 0 : index
      %get3A_52 = arith.constant 0 : index
      %get3A_53 = vector.load %arg13[%get3A_51, %get3A_52] : memref<4096x1xi32, #tpu.memory_space<vmem>>, vector<4096x1xi32>
      %add3A_54 = arith.addi %convert_element_type3A_50, %get3A_53 : vector<4096x1xi32>
      %swap3A_55 = arith.constant 0 : index
      %swap3A_56 = arith.constant 0 : index
      %swap3A_57 = vector.load %arg7[%swap3A_55, %swap3A_56] : memref<4096x1xi32, #tpu.memory_space<vmem>>, vector<4096x1xi32>
      tpu.vector_store %arg7[%swap3A_55, %swap3A_56], %add3A_54 {strides = array<i32>} : memref<4096x1xi32, #tpu.memory_space<vmem>>, vector<4096x1xi32>,
      %eq3A_58 = arith.cmpi eq, %iota3A, %iota3A_15 : vector<8x8xi32>
      %convert_element_type3A_59 = arith.extui %eq3A_58 : vector<8x8xi1> to vector<8x8xi32>
      %convert_element_type3A_60 = arith.sitofp %convert_element_type3A_59 : vector<8x8xi32> to vector<8x8xf32>
      %mul3A_61 = vector.broadcast %dot_general3A_18 : vector<1x8xf32> to vector<8x8xf32>
      %mul3A_62 = arith.mulf %convert_element_type3A_60, %mul3A_61 : vector<8x8xf32>
      %reduce_sum3A_63 = arith.constant dense<0.000000e+00> : vector<8xf32>
      %reduce_sum3A_64 = vector.multi_reduction <add>, %mul3A_62, %reduce_sum3A_63 [1] : vector<8x8xf32> to vector<8xf32>
      %broadcast_in_dim3A_65 = vector.shape_cast %reduce_sum3A_64 : vector<8xf32> to vector<8x1xf32>
      %iota3A_66 = tpu.iota {dimensions = array<i32: 1>} : vector<8x24xi32>
      %convert_element_type3A_67 = arith.sitofp %iota3A_66 : vector<8x24xi32> to vector<8x24xf32>
      %ge3A = vector.broadcast %broadcast_in_dim3A_65 : vector<8x1xf32> to vector<8x24xf32>
      %ge3A_68 = arith.cmpf oge, %convert_element_type3A_67, %ge3A : vector<8x24xf32>
      %convert_element_type3A_69 = arith.extui %ge3A_68 : vector<8x24xi1> to vector<8x24xi32>
      %reduce_sum3A_70 = arith.constant dense<0> : vector<24xi32>
      %reduce_sum3A_71 = vector.multi_reduction <add>, %convert_element_type3A_69, %reduce_sum3A_70 [0] : vector<8x24xi32> to vector<24xi32>
      %broadcast_in_dim3A_72 = vector.shape_cast %reduce_sum3A_71 : vector<24xi32> to vector<1x24xi32>
      %min3A = arith.constant 7 : i32
      %min3A_73 = vector.broadcast %min3A : i32 to vector<1x24xi32>
      %min3A_74 = arith.minsi %broadcast_in_dim3A_72, %min3A_73 : vector<1x24xi32>
      %broadcast_in_dim3A_75 = vector.shape_cast %min3A_74 : vector<1x24xi32> to vector<1x24xi32>
      %broadcast_in_dim3A_76 = vector.broadcast %broadcast_in_dim3A_75 : vector<1x24xi32> to vector<8x24xi32>
      %swap3A_77 = arith.constant 0 : index
      %swap3A_78 = arith.constant 0 : index
      %swap3A_79 = vector.load %arg8[%swap3A_77, %swap3A_78] : memref<8x24xi32, #tpu.memory_space<vmem>>, vector<8x24xi32>
      tpu.vector_store %arg8[%swap3A_77, %swap3A_78], %broadcast_in_dim3A_76 {strides = array<i32>} : memref<8x24xi32, #tpu.memory_space<vmem>>, vector<8x24xi32>,
    } else {
    }
    return
  }
  func.func @transform_0(%arg0: i32) -> (i32, i32) {
    %min3A = arith.constant 3 : i32
    %min3A_0 = arith.minsi %arg0, %min3A : i32
    %c0_i32 = arith.constant 0 : i32
    %c0_i32_1 = arith.constant 0 : i32
    return %min3A_0, %c0_i32 : i32, i32
  }
  func.func @transform_1(%arg0: i32) -> (i32, i32) {
    %c0_i32 = arith.constant 0 : i32
    %c0_i32_0 = arith.constant 0 : i32
    %c0_i32_1 = arith.constant 0 : i32
    return %c0_i32, %c0_i32_0 : i32, i32
  }
  func.func @transform_2(%arg0: i32) -> (i32, i32) {
    %min3A = arith.constant 3 : i32
    %min3A_0 = arith.minsi %arg0, %min3A : i32
    %c0_i32 = arith.constant 0 : i32
    %c0_i32_1 = arith.constant 0 : i32
    return %min3A_0, %c0_i32 : i32, i32
  }
  func.func @transform_3(%arg0: i32) -> (i32, i32) {
    %min3A = arith.constant 3 : i32
    %min3A_0 = arith.minsi %arg0, %min3A : i32
    %c0_i32 = arith.constant 0 : i32
    %c0_i32_1 = arith.constant 0 : i32
    return %min3A_0, %c0_i32 : i32, i32
  }
  func.func @transform_4(%arg0: i32) -> (i32, i32) {
    %min3A = arith.constant 3 : i32
    %min3A_0 = arith.minsi %arg0, %min3A : i32
    %c0_i32 = arith.constant 0 : i32
    %c0_i32_1 = arith.constant 0 : i32
    return %min3A_0, %c0_i32 : i32, i32
  }
  func.func @transform_5(%arg0: i32) -> (i32, i32) {
    %c0_i32 = arith.constant 0 : i32
    %c0_i32_0 = arith.constant 0 : i32
    %c0_i32_1 = arith.constant 0 : i32
    return %c0_i32, %c0_i32_0 : i32, i32
  }
  func.func @transform_6(%arg0: i32) -> (i32, i32) {
    %c0_i32 = arith.constant 0 : i32
    %c0_i32_0 = arith.constant 0 : i32
    %c0_i32_1 = arith.constant 0 : i32
    return %c0_i32, %c0_i32_0 : i32, i32
  }
  func.func @transform_7(%arg0: i32) -> (i32, i32) {
    %c0_i32 = arith.constant 0 : i32
    %c0_i32_0 = arith.constant 0 : i32
    %c0_i32_1 = arith.constant 0 : i32
    return %c0_i32, %c0_i32_0 : i32, i32
  }
}

module attributes {stable_mosaic.version = 14 : i64} {
  func.func @_grouped_body(%arg0: i32, %arg1: memref<24xi32, #tpu.memory_space<smem>>, %arg2: memref<512x512xi32, #tpu.memory_space<vmem>>, %arg3: memref<1x1024x512xf32, #tpu.memory_space<vmem>>, %arg4: memref<1x1024x512xf32, #tpu.memory_space<vmem>>, %arg5: memref<1x512x1024xf32, #tpu.memory_space<vmem>>, %arg6: memref<512x512xi32, #tpu.memory_space<vmem>>) attributes {dimension_semantics = [#tpu.dimension_semantics<arbitrary>], iteration_bounds = array<i64: 24>, scalar_prefetch = 1 : i64, scratch_operands = 0 : i64, tpu.core_type = #tpu.core_type<tc>, window_params = [{transform_indices = @transform_0, window_bounds = array<i64: 512, 512>}, {transform_indices = @transform_1, window_bounds = array<i64: 1, 1024, 512>}, {transform_indices = @transform_2, window_bounds = array<i64: 1, 1024, 512>}, {transform_indices = @transform_3, window_bounds = array<i64: 1, 512, 1024>}, {transform_indices = @transform_4, window_bounds = array<i64: 512, 512>}]} {
    %get3A = arith.constant 0 : index
    %get3A_0 = arith.constant 0 : index
    %get3A_1 = vector.load %arg2[%get3A, %get3A_0] : memref<512x512xi32, #tpu.memory_space<vmem>>, vector<512x512xi32>
    %bitcast_convert_type3A = tpu.bitcast %get3A_1 : vector<512x512xi32> -> vector<512x512xi32>
    %and3A = arith.constant 65535 : i32
    %and3A_2 = vector.broadcast %and3A : i32 to vector<512x512xi32>
    %and3A_3 = arith.andi %bitcast_convert_type3A, %and3A_2 : vector<512x512xi32>
    %convert_element_type3A = arith.trunci %and3A_3 : vector<512x512xi32> to vector<512x512xi16>
    %bitcast_convert_type3A_4 = tpu.bitcast %convert_element_type3A : vector<512x512xi16> -> vector<512x512xbf16>
    %shift_right_logical3A = arith.constant 16 : i32
    %shift_right_logical3A_5 = vector.broadcast %shift_right_logical3A : i32 to vector<512x512xi32>
    %shift_right_logical3A_6 = arith.shrui %bitcast_convert_type3A, %shift_right_logical3A_5 : vector<512x512xi32>
    %convert_element_type3A_7 = arith.trunci %shift_right_logical3A_6 : vector<512x512xi32> to vector<512x512xi16>
    %bitcast_convert_type3A_8 = tpu.bitcast %convert_element_type3A_7 : vector<512x512xi16> -> vector<512x512xbf16>
    %concatenate3A = tpu.concatenate %bitcast_convert_type3A_4, %bitcast_convert_type3A_8 in 1 : vector<512x512xbf16>, vector<512x512xbf16> -> vector<512x1024xbf16>
    %convert_element_type3A_9 = arith.extf %concatenate3A : vector<512x1024xbf16> to vector<512x1024xf32>
    %get3A_10 = arith.constant 0 : index
    %get3A_11 = arith.constant 0 : index
    %get3A_12 = arith.constant 0 : index
    %get3A_13 = vector.load %arg3[%get3A_10, %get3A_11, %get3A_12] : memref<1x1024x512xf32, #tpu.memory_space<vmem>>, vector<1x1024x512xf32>
    %get3A_14 = vector.shape_cast %get3A_13 : vector<1x1024x512xf32> to vector<1024x512xf32>
    %dot_general3A = arith.constant dense<0.000000e+00> : vector<512x512xf32>
    %dot_general3A_15 = tpu.matmul %convert_element_type3A_9, %get3A_14, %dot_general3A {dimension_numbers = #tpu.dot_dimension_numbers<[1], [0], [0], [1], [0, 0, 1, 1], [], []>, transpose_lhs_hint = false} : vector<512x1024xf32>, vector<1024x512xf32>, vector<512x512xf32> -> vector<512x512xf32>
    %get3A_16 = arith.constant 0 : index
    %get3A_17 = arith.constant 0 : index
    %get3A_18 = arith.constant 0 : index
    %get3A_19 = vector.load %arg4[%get3A_16, %get3A_17, %get3A_18] : memref<1x1024x512xf32, #tpu.memory_space<vmem>>, vector<1x1024x512xf32>
    %get3A_20 = vector.shape_cast %get3A_19 : vector<1x1024x512xf32> to vector<1024x512xf32>
    %dot_general3A_21 = arith.constant dense<0.000000e+00> : vector<512x512xf32>
    %dot_general3A_22 = tpu.matmul %convert_element_type3A_9, %get3A_20, %dot_general3A_21 {dimension_numbers = #tpu.dot_dimension_numbers<[1], [0], [0], [1], [0, 0, 1, 1], [], []>, transpose_lhs_hint = false} : vector<512x1024xf32>, vector<1024x512xf32>, vector<512x512xf32> -> vector<512x512xf32>
    %logistic3A = arith.negf %dot_general3A_15 : vector<512x512xf32>
    %logistic3A_23 = math.exp %logistic3A : vector<512x512xf32>
    %logistic3A_24 = arith.constant 1.000000e+00 : f32
    %logistic3A_25 = vector.broadcast %logistic3A_24 : f32 to vector<512x512xf32>
    %logistic3A_26 = arith.addf %logistic3A_25, %logistic3A_23 : vector<512x512xf32>
    %logistic3A_27 = arith.divf %logistic3A_25, %logistic3A_26 : vector<512x512xf32>
    %mul3A = arith.mulf %dot_general3A_15, %logistic3A_27 : vector<512x512xf32>
    %mul3A_28 = arith.mulf %mul3A, %dot_general3A_22 : vector<512x512xf32>
    %get3A_29 = arith.constant 0 : index
    %get3A_30 = arith.constant 0 : index
    %get3A_31 = arith.constant 0 : index
    %get3A_32 = vector.load %arg5[%get3A_29, %get3A_30, %get3A_31] : memref<1x512x1024xf32, #tpu.memory_space<vmem>>, vector<1x512x1024xf32>
    %get3A_33 = vector.shape_cast %get3A_32 : vector<1x512x1024xf32> to vector<512x1024xf32>
    %dot_general3A_34 = arith.constant dense<0.000000e+00> : vector<512x1024xf32>
    %dot_general3A_35 = tpu.matmul %mul3A_28, %get3A_33, %dot_general3A_34 {dimension_numbers = #tpu.dot_dimension_numbers<[1], [0], [0], [1], [0, 0, 1, 1], [], []>, transpose_lhs_hint = false} : vector<512x512xf32>, vector<512x1024xf32>, vector<512x1024xf32> -> vector<512x1024xf32>
    %convert_element_type3A_36 = arith.truncf %dot_general3A_35 : vector<512x1024xf32> to vector<512x1024xbf16>
    %slice3A = vector.extract_strided_slice %convert_element_type3A_36 {offsets = [0, 0], sizes = [512, 512], strides = [1, 1]} : vector<512x1024xbf16> to vector<512x512xbf16>
    %bitcast_convert_type3A_37 = tpu.bitcast %slice3A : vector<512x512xbf16> -> vector<512x512xi16>
    %convert_element_type3A_38 = arith.extui %bitcast_convert_type3A_37 : vector<512x512xi16> to vector<512x512xi32>
    %slice3A_39 = vector.extract_strided_slice %convert_element_type3A_36 {offsets = [0, 512], sizes = [512, 512], strides = [1, 1]} : vector<512x1024xbf16> to vector<512x512xbf16>
    %bitcast_convert_type3A_40 = tpu.bitcast %slice3A_39 : vector<512x512xbf16> -> vector<512x512xi16>
    %convert_element_type3A_41 = arith.extui %bitcast_convert_type3A_40 : vector<512x512xi16> to vector<512x512xi32>
    %shift_left3A = arith.constant 16 : i32
    %shift_left3A_42 = vector.broadcast %shift_left3A : i32 to vector<512x512xi32>
    %shift_left3A_43 = arith.shli %convert_element_type3A_41, %shift_left3A_42 : vector<512x512xi32>
    %or3A = arith.ori %convert_element_type3A_38, %shift_left3A_43 : vector<512x512xi32>
    %bitcast_convert_type3A_44 = tpu.bitcast %or3A : vector<512x512xi32> -> vector<512x512xi32>
    %swap3A = arith.constant 0 : index
    %swap3A_45 = arith.constant 0 : index
    %swap3A_46 = vector.load %arg6[%swap3A, %swap3A_45] : memref<512x512xi32, #tpu.memory_space<vmem>>, vector<512x512xi32>
    tpu.vector_store %arg6[%swap3A, %swap3A_45], %bitcast_convert_type3A_44 {strides = array<i32>} : memref<512x512xi32, #tpu.memory_space<vmem>>, vector<512x512xi32>,
    return
  }
  func.func @transform_0(%arg0: i32, %arg1: memref<24xi32, #tpu.memory_space<smem>>) -> (i32, i32) {
    %c0_i32 = arith.constant 0 : i32
    %c0_i32_0 = arith.constant 0 : i32
    return %arg0, %c0_i32 : i32, i32
  }
  func.func @transform_1(%arg0: i32, %arg1: memref<24xi32, #tpu.memory_space<smem>>) -> (i32, i32, i32) {
    %get3A = arith.index_cast %arg0 : i32 to index
    %get3A_0 = memref.load %arg1[%get3A] : memref<24xi32, #tpu.memory_space<smem>>
    %c0_i32 = arith.constant 0 : i32
    %c0_i32_1 = arith.constant 0 : i32
    %c0_i32_2 = arith.constant 0 : i32
    return %get3A_0, %c0_i32, %c0_i32_1 : i32, i32, i32
  }
  func.func @transform_2(%arg0: i32, %arg1: memref<24xi32, #tpu.memory_space<smem>>) -> (i32, i32, i32) {
    %get3A = arith.index_cast %arg0 : i32 to index
    %get3A_0 = memref.load %arg1[%get3A] : memref<24xi32, #tpu.memory_space<smem>>
    %c0_i32 = arith.constant 0 : i32
    %c0_i32_1 = arith.constant 0 : i32
    %c0_i32_2 = arith.constant 0 : i32
    return %get3A_0, %c0_i32, %c0_i32_1 : i32, i32, i32
  }
  func.func @transform_3(%arg0: i32, %arg1: memref<24xi32, #tpu.memory_space<smem>>) -> (i32, i32, i32) {
    %get3A = arith.index_cast %arg0 : i32 to index
    %get3A_0 = memref.load %arg1[%get3A] : memref<24xi32, #tpu.memory_space<smem>>
    %c0_i32 = arith.constant 0 : i32
    %c0_i32_1 = arith.constant 0 : i32
    %c0_i32_2 = arith.constant 0 : i32
    return %get3A_0, %c0_i32, %c0_i32_1 : i32, i32, i32
  }
  func.func @transform_4(%arg0: i32, %arg1: memref<24xi32, #tpu.memory_space<smem>>) -> (i32, i32) {
    %c0_i32 = arith.constant 0 : i32
    %c0_i32_0 = arith.constant 0 : i32
    return %arg0, %c0_i32 : i32, i32
  }
}

module attributes {stable_mosaic.version = 14 : i64} {
  func.func @_shared_body(%arg0: i32, %arg1: memref<1024x1024xf32, #tpu.memory_space<vmem>>, %arg2: memref<1024x1024xf32, #tpu.memory_space<vmem>>, %arg3: memref<1024x1024xf32, #tpu.memory_space<vmem>>, %arg4: memref<1024x1024xf32, #tpu.memory_space<vmem>>, %arg5: memref<1024x1024xf32, #tpu.memory_space<vmem>>) attributes {dimension_semantics = [#tpu.dimension_semantics<arbitrary>], iteration_bounds = array<i64: 4>, scalar_prefetch = 0 : i64, scratch_operands = 0 : i64, tpu.core_type = #tpu.core_type<tc>, window_params = [{transform_indices = @transform_0, window_bounds = array<i64: 1024, 1024>}, {pipeline_mode = #tpu.pipeline_mode<synchronous>, transform_indices = @transform_1, window_bounds = array<i64: 1024, 1024>}, {pipeline_mode = #tpu.pipeline_mode<synchronous>, transform_indices = @transform_2, window_bounds = array<i64: 1024, 1024>}, {pipeline_mode = #tpu.pipeline_mode<synchronous>, transform_indices = @transform_3, window_bounds = array<i64: 1024, 1024>}, {transform_indices = @transform_4, window_bounds = array<i64: 1024, 1024>}]} {
    %get3A = arith.constant 0 : index
    %get3A_0 = arith.constant 0 : index
    %get3A_1 = vector.load %arg1[%get3A, %get3A_0] : memref<1024x1024xf32, #tpu.memory_space<vmem>>, vector<1024x1024xf32>
    %get3A_2 = arith.constant 0 : index
    %get3A_3 = arith.constant 0 : index
    %get3A_4 = vector.load %arg2[%get3A_2, %get3A_3] : memref<1024x1024xf32, #tpu.memory_space<vmem>>, vector<1024x1024xf32>
    %dot_general3A = arith.constant dense<0.000000e+00> : vector<1024x1024xf32>
    %dot_general3A_5 = tpu.matmul %get3A_1, %get3A_4, %dot_general3A {dimension_numbers = #tpu.dot_dimension_numbers<[1], [0], [0], [1], [0, 0, 1, 1], [], []>, transpose_lhs_hint = false} : vector<1024x1024xf32>, vector<1024x1024xf32>, vector<1024x1024xf32> -> vector<1024x1024xf32>
    %get3A_6 = arith.constant 0 : index
    %get3A_7 = arith.constant 0 : index
    %get3A_8 = vector.load %arg3[%get3A_6, %get3A_7] : memref<1024x1024xf32, #tpu.memory_space<vmem>>, vector<1024x1024xf32>
    %dot_general3A_9 = arith.constant dense<0.000000e+00> : vector<1024x1024xf32>
    %dot_general3A_10 = tpu.matmul %get3A_1, %get3A_8, %dot_general3A_9 {dimension_numbers = #tpu.dot_dimension_numbers<[1], [0], [0], [1], [0, 0, 1, 1], [], []>, transpose_lhs_hint = false} : vector<1024x1024xf32>, vector<1024x1024xf32>, vector<1024x1024xf32> -> vector<1024x1024xf32>
    %logistic3A = arith.negf %dot_general3A_5 : vector<1024x1024xf32>
    %logistic3A_11 = math.exp %logistic3A : vector<1024x1024xf32>
    %logistic3A_12 = arith.constant 1.000000e+00 : f32
    %logistic3A_13 = vector.broadcast %logistic3A_12 : f32 to vector<1024x1024xf32>
    %logistic3A_14 = arith.addf %logistic3A_13, %logistic3A_11 : vector<1024x1024xf32>
    %logistic3A_15 = arith.divf %logistic3A_13, %logistic3A_14 : vector<1024x1024xf32>
    %mul3A = arith.mulf %dot_general3A_5, %logistic3A_15 : vector<1024x1024xf32>
    %mul3A_16 = arith.mulf %mul3A, %dot_general3A_10 : vector<1024x1024xf32>
    %get3A_17 = arith.constant 0 : index
    %get3A_18 = arith.constant 0 : index
    %get3A_19 = vector.load %arg4[%get3A_17, %get3A_18] : memref<1024x1024xf32, #tpu.memory_space<vmem>>, vector<1024x1024xf32>
    %dot_general3A_20 = arith.constant dense<0.000000e+00> : vector<1024x1024xf32>
    %dot_general3A_21 = tpu.matmul %mul3A_16, %get3A_19, %dot_general3A_20 {dimension_numbers = #tpu.dot_dimension_numbers<[1], [0], [0], [1], [0, 0, 1, 1], [], []>, transpose_lhs_hint = false} : vector<1024x1024xf32>, vector<1024x1024xf32>, vector<1024x1024xf32> -> vector<1024x1024xf32>
    %swap3A = arith.constant 0 : index
    %swap3A_22 = arith.constant 0 : index
    %swap3A_23 = vector.load %arg5[%swap3A, %swap3A_22] : memref<1024x1024xf32, #tpu.memory_space<vmem>>, vector<1024x1024xf32>
    tpu.vector_store %arg5[%swap3A, %swap3A_22], %dot_general3A_21 {strides = array<i32>} : memref<1024x1024xf32, #tpu.memory_space<vmem>>, vector<1024x1024xf32>,
    return
  }
  func.func @transform_0(%arg0: i32) -> (i32, i32) {
    %c0_i32 = arith.constant 0 : i32
    %c0_i32_0 = arith.constant 0 : i32
    return %arg0, %c0_i32 : i32, i32
  }
  func.func @transform_1(%arg0: i32) -> (i32, i32) {
    %c0_i32 = arith.constant 0 : i32
    %c0_i32_0 = arith.constant 0 : i32
    %c0_i32_1 = arith.constant 0 : i32
    return %c0_i32, %c0_i32_0 : i32, i32
  }
  func.func @transform_2(%arg0: i32) -> (i32, i32) {
    %c0_i32 = arith.constant 0 : i32
    %c0_i32_0 = arith.constant 0 : i32
    %c0_i32_1 = arith.constant 0 : i32
    return %c0_i32, %c0_i32_0 : i32, i32
  }
  func.func @transform_3(%arg0: i32) -> (i32, i32) {
    %c0_i32 = arith.constant 0 : i32
    %c0_i32_0 = arith.constant 0 : i32
    %c0_i32_1 = arith.constant 0 : i32
    return %c0_i32, %c0_i32_0 : i32, i32
  }
  func.func @transform_4(%arg0: i32) -> (i32, i32) {
    %c0_i32 = arith.constant 0 : i32
    %c0_i32_0 = arith.constant 0 : i32
    return %arg0, %c0_i32 : i32, i32
  }
}

module attributes {stable_mosaic.version = 14 : i64} {
  func.func @_combine_body(%arg0: i32, %arg1: memref<1024x512xi32, #tpu.memory_space<vmem>>, %arg2: memref<1024x512xi32, #tpu.memory_space<vmem>>, %arg3: memref<1024x1024xf32, #tpu.memory_space<vmem>>, %arg4: memref<1024x1xf32, #tpu.memory_space<vmem>>, %arg5: memref<1024x1xf32, #tpu.memory_space<vmem>>, %arg6: memref<1024x1024xf32, #tpu.memory_space<vmem>>) attributes {dimension_semantics = [#tpu.dimension_semantics<arbitrary>], iteration_bounds = array<i64: 4>, scalar_prefetch = 0 : i64, scratch_operands = 0 : i64, tpu.core_type = #tpu.core_type<tc>, window_params = [{transform_indices = @transform_0, window_bounds = array<i64: 1024, 512>}, {transform_indices = @transform_1, window_bounds = array<i64: 1024, 512>}, {transform_indices = @transform_2, window_bounds = array<i64: 1024, 1024>}, {transform_indices = @transform_3, window_bounds = array<i64: 1024, 1>}, {transform_indices = @transform_4, window_bounds = array<i64: 1024, 1>}, {transform_indices = @transform_5, window_bounds = array<i64: 1024, 1024>}]} {
    %get3A = arith.constant 0 : index
    %get3A_0 = arith.constant 0 : index
    %get3A_1 = vector.load %arg1[%get3A, %get3A_0] : memref<1024x512xi32, #tpu.memory_space<vmem>>, vector<1024x512xi32>
    %bitcast_convert_type3A = tpu.bitcast %get3A_1 : vector<1024x512xi32> -> vector<1024x512xi32>
    %and3A = arith.constant 65535 : i32
    %and3A_2 = vector.broadcast %and3A : i32 to vector<1024x512xi32>
    %and3A_3 = arith.andi %bitcast_convert_type3A, %and3A_2 : vector<1024x512xi32>
    %convert_element_type3A = arith.trunci %and3A_3 : vector<1024x512xi32> to vector<1024x512xi16>
    %bitcast_convert_type3A_4 = tpu.bitcast %convert_element_type3A : vector<1024x512xi16> -> vector<1024x512xbf16>
    %shift_right_logical3A = arith.constant 16 : i32
    %shift_right_logical3A_5 = vector.broadcast %shift_right_logical3A : i32 to vector<1024x512xi32>
    %shift_right_logical3A_6 = arith.shrui %bitcast_convert_type3A, %shift_right_logical3A_5 : vector<1024x512xi32>
    %convert_element_type3A_7 = arith.trunci %shift_right_logical3A_6 : vector<1024x512xi32> to vector<1024x512xi16>
    %bitcast_convert_type3A_8 = tpu.bitcast %convert_element_type3A_7 : vector<1024x512xi16> -> vector<1024x512xbf16>
    %concatenate3A = tpu.concatenate %bitcast_convert_type3A_4, %bitcast_convert_type3A_8 in 1 : vector<1024x512xbf16>, vector<1024x512xbf16> -> vector<1024x1024xbf16>
    %convert_element_type3A_9 = arith.extf %concatenate3A : vector<1024x1024xbf16> to vector<1024x1024xf32>
    %get3A_10 = arith.constant 0 : index
    %get3A_11 = arith.constant 0 : index
    %get3A_12 = vector.load %arg2[%get3A_10, %get3A_11] : memref<1024x512xi32, #tpu.memory_space<vmem>>, vector<1024x512xi32>
    %bitcast_convert_type3A_13 = tpu.bitcast %get3A_12 : vector<1024x512xi32> -> vector<1024x512xi32>
    %and3A_14 = arith.constant 65535 : i32
    %and3A_15 = vector.broadcast %and3A_14 : i32 to vector<1024x512xi32>
    %and3A_16 = arith.andi %bitcast_convert_type3A_13, %and3A_15 : vector<1024x512xi32>
    %convert_element_type3A_17 = arith.trunci %and3A_16 : vector<1024x512xi32> to vector<1024x512xi16>
    %bitcast_convert_type3A_18 = tpu.bitcast %convert_element_type3A_17 : vector<1024x512xi16> -> vector<1024x512xbf16>
    %shift_right_logical3A_19 = arith.constant 16 : i32
    %shift_right_logical3A_20 = vector.broadcast %shift_right_logical3A_19 : i32 to vector<1024x512xi32>
    %shift_right_logical3A_21 = arith.shrui %bitcast_convert_type3A_13, %shift_right_logical3A_20 : vector<1024x512xi32>
    %convert_element_type3A_22 = arith.trunci %shift_right_logical3A_21 : vector<1024x512xi32> to vector<1024x512xi16>
    %bitcast_convert_type3A_23 = tpu.bitcast %convert_element_type3A_22 : vector<1024x512xi16> -> vector<1024x512xbf16>
    %concatenate3A_24 = tpu.concatenate %bitcast_convert_type3A_18, %bitcast_convert_type3A_23 in 1 : vector<1024x512xbf16>, vector<1024x512xbf16> -> vector<1024x1024xbf16>
    %convert_element_type3A_25 = arith.extf %concatenate3A_24 : vector<1024x1024xbf16> to vector<1024x1024xf32>
    %get3A_26 = arith.constant 0 : index
    %get3A_27 = arith.constant 0 : index
    %get3A_28 = vector.load %arg4[%get3A_26, %get3A_27] : memref<1024x1xf32, #tpu.memory_space<vmem>>, vector<1024x1xf32>
    %mul3A = vector.broadcast %get3A_28 : vector<1024x1xf32> to vector<1024x1024xf32>
    %mul3A_29 = arith.mulf %mul3A, %convert_element_type3A_9 : vector<1024x1024xf32>
    %get3A_30 = arith.constant 0 : index
    %get3A_31 = arith.constant 0 : index
    %get3A_32 = vector.load %arg5[%get3A_30, %get3A_31] : memref<1024x1xf32, #tpu.memory_space<vmem>>, vector<1024x1xf32>
    %mul3A_33 = vector.broadcast %get3A_32 : vector<1024x1xf32> to vector<1024x1024xf32>
    %mul3A_34 = arith.mulf %mul3A_33, %convert_element_type3A_25 : vector<1024x1024xf32>
    %add3A = arith.addf %mul3A_29, %mul3A_34 : vector<1024x1024xf32>
    %get3A_35 = arith.constant 0 : index
    %get3A_36 = arith.constant 0 : index
    %get3A_37 = vector.load %arg3[%get3A_35, %get3A_36] : memref<1024x1024xf32, #tpu.memory_space<vmem>>, vector<1024x1024xf32>
    %add3A_38 = arith.addf %add3A, %get3A_37 : vector<1024x1024xf32>
    %swap3A = arith.constant 0 : index
    %swap3A_39 = arith.constant 0 : index
    %swap3A_40 = vector.load %arg6[%swap3A, %swap3A_39] : memref<1024x1024xf32, #tpu.memory_space<vmem>>, vector<1024x1024xf32>
    tpu.vector_store %arg6[%swap3A, %swap3A_39], %add3A_38 {strides = array<i32>} : memref<1024x1024xf32, #tpu.memory_space<vmem>>, vector<1024x1024xf32>,
    return
  }
  func.func @transform_0(%arg0: i32) -> (i32, i32) {
    %c0_i32 = arith.constant 0 : i32
    %c0_i32_0 = arith.constant 0 : i32
    return %arg0, %c0_i32 : i32, i32
  }
  func.func @transform_1(%arg0: i32) -> (i32, i32) {
    %add3A = arith.constant 4 : i32
    %add3A_0 = arith.addi %arg0, %add3A : i32
    %c0_i32 = arith.constant 0 : i32
    %c0_i32_1 = arith.constant 0 : i32
    return %add3A_0, %c0_i32 : i32, i32
  }
  func.func @transform_2(%arg0: i32) -> (i32, i32) {
    %c0_i32 = arith.constant 0 : i32
    %c0_i32_0 = arith.constant 0 : i32
    return %arg0, %c0_i32 : i32, i32
  }
  func.func @transform_3(%arg0: i32) -> (i32, i32) {
    %c0_i32 = arith.constant 0 : i32
    %c0_i32_0 = arith.constant 0 : i32
    return %arg0, %c0_i32 : i32, i32
  }
  func.func @transform_4(%arg0: i32) -> (i32, i32) {
    %c0_i32 = arith.constant 0 : i32
    %c0_i32_0 = arith.constant 0 : i32
    return %arg0, %c0_i32 : i32, i32
  }
  func.func @transform_5(%arg0: i32) -> (i32, i32) {
    %c0_i32 = arith.constant 0 : i32
    %c0_i32_0 = arith.constant 0 : i32
    return %arg0, %c0_i32 : i32, i32
  }
}

</mosaic_0001>

<sc_bundles>
// kernel: kernel.11.cloned.1.call-start
scs
__scs_entry_jumppad:
0x0: {  	(pc) =	sbr.rel $0x88, $3  }
0x1: {  	(tag) =	ssettag $0x0;
	lr =	simm.s32 $0x1  }
0x2: {  	[smem:$0x3F99] =	sst lr;
	_ =	strace $0xD0000000  }
0x3: {  	_ = 	snop  }
0x4: {  	_ = 	snop  }
0x5: {  	_ = 	snop  }
0x6: {  	_ = 	snop  }
0x7: {  	_ = 	snop  }
__scs_overlays_trampoline_lowered:
0x8: {  	[smem:$0x3FA8] =	sst s0  }
0x9: {  	[smem:$0x3FA9] =	sst s1  }
0xa: {  	[smem:$0x3FAA] =	sst s2  }
0xb: {  	[smem:$0x3FAB] =	sst s3  }
0xc: {  	[smem:$0x3FAC] =	sst s4  }
0xd: {  	[smem:$0x3FAD] =	sst s5  }
0xe: {  	[smem:$0x3FAE] =	sst s6  }
0xf: {  	[smem:$0x3FAF] =	sst s7  }
0x10: {  	[smem:$0x3FB0] =	sst s8  }
0x11: {  	[smem:$0x3FB1] =	sst s9;
	s0 =	simm.s32 @!p0 $0x0  }
0x12: {  	s1 =	sld [smem:$0x3F97];
	s0 =	simm.s32 @p0 $0x1  }
0x13: {  	[smem:$0x3FB2] =	sst s0;
	s0 =	simm.s32 @!p1 $0x0  }
0x14: {  	s2 =	sld [smem:$0x3F96];
	s0 =	simm.s32 @p1 $0x1  }
0x15: {  	[smem:$0x3FB3] =	sst s0;
	s0 =	simm.s32 @!p2 $0x0  }
0x16: {  	s3 =	sld [smem:$0x3FDB];
	s0 =	simm.s32 @p2 $0x1  }
0x17: {  	s4 =	simm.s32 $0x1BF5;
	[smem:$0x3FB5] =	sst s0  }
0x18: {  	s0 =	sld [smem:$0x3F98];
	_ =	swait.ge [sflag:s4], $0x0  }
0x19: {  	s7 =	sld [smem:$0x3F99]  }
0x1a: {  	s8 =	sadd.s32 $0xFFFFE003, lr  }
0x1b: {  	s9 =	sadd.s32 $0xFFFFFEF7, lr;
	s5 =	simm.s32 $0xFFFFFFFF;
	p2 =	slt.u32 s8, $0xFFFFF086  }
0x1c: {  	p1 =	slt.u32 s9, $0xF7A;
	s5 =	simm.s32 @!p2 $0x0  }
0x1d: {  	s5 =	simm.s32 @p1 $0x1;
	p0 =	seq.s32 s7, s2  }
0x1e: {  	s7 =	smul.u32 @!p0 $0xF7A, s2;
	p2 =	seq.s32 @!p0 s5, $0x0  }
0x1f: {  	s9 =	smul.u32 $0xF7A, s1;
	s8 =	simm.s32 @!p0 $0x1BF5;
	p2 =	por !p2, p0  }
0x20: {  	[sflag:s8] =	ssyncset.s32 @!p0 $0xFFFFF086;
	s6 =	sadd.s32 @!p0 s3, s7;
	s7 =	simm.s32 @!p0 $0x108  }
0x21: {  	s3 =	sadd.s32 s3, s9;
	s6 =	sadd.s32 @!p0 $0x88, s6;
	s7 =	simm.s32 @p2 $0x1082  }
0x22: {  	[simem:s7], [sflag:s8] =	dma.local @!p0 [hbm:s6], $0xF7A  }
0x23: {  	s9 =	sor.u32 $0xD0000000, s2;
	s6 =	simm.s32 $0x108;
	_ =	swait.ge @!p0 [sflag:s8], $0x0  }
0x24: {  	s3 =	sadd.s32 $0x88, s3;
	s6 =	simm.s32 @!p1 $0x1082;
	[sflag:s4] =	ssyncset.s32 $0xFFFFF086  }
0x25: {  	[simem:s6], [sflag:s4] =	dma.local [hbm:s3], $0xF7A  }
0x26: {  	[smem:$0x3F99] =	sst s1;
	(tag) =	ssettag s2;
	_ =	strace s9  }
0x27: {  	s1 =	sld [smem:$0x3FA9]  }
0x28: {  	s2 =	sld [smem:$0x3FAA]  }
0x29: {  	s4 =	sld [smem:$0x3FAC]  }
0x2a: {  	p0 =	seq.s32 s5, $0x0;
	s5 =	sld [smem:$0x3FAD]  }
0x2b: {  	s6 =	sld [smem:$0x3FAE]  }
0x2c: {  	s7 =	sld [smem:$0x3FAF]  }
0x2d: {  	s3 =	simm.s32 $0x108;
	s8 =	sld [smem:$0x3FB0]  }
0x2e: {  	s3 =	simm.s32 @!p0 $0x1082;
	s9 =	sld [smem:$0x3FB1]  }
0x2f: {  	lr =	sadd.s32 s0, s3;
	s0 =	sld [smem:$0x3FA8]  }
0x30: {  	s3 =	sld [smem:$0x3FAB]  }
0x31: {  	[smem:$0x3FB4] =	sst s10  }
0x32: {  	s10 =	sld [smem:$0x3FB2];
	_ =	sdelay $0x3  }
0x33: {  	p0 =	seq.s32 s10, $0x1;
	s10 =	sld [smem:$0x3FB4];
	_ =	sdelay $0x3  }
0x34: {  	[smem:$0x3FB4] =	sst s10  }
0x35: {  	s10 =	sld [smem:$0x3FB3];
	_ =	sdelay $0x3  }
0x36: {  	p1 =	seq.s32 s10, $0x1;
	s10 =	sld [smem:$0x3FB4];
	_ =	sdelay $0x3  }
0x37: {  	[smem:$0x3FB4] =	sst s10  }
0x38: {  	s10 =	sld [smem:$0x3FB5]  }
0x39: {  	_ = 	snop;
	(pc) =	sbr.ind lr, $3  }
0x3a: {  	_ = 	snop  }
0x3b: {  	_ = 	snop  }
0x3c: {  	p2 =	seq.s32 s10, $0x1;
	s10 =	sld [smem:$0x3FB4]  }
0x3d: {  	_ =	shalt  }
0x3e: {  	_ =	shalt  }
0x3f: {  	_ =	shalt  }
0x40: {  	_ =	shalt  }
0x41: {  	_ =	shalt  }
0x42: {  	_ =	shalt  }
0x43: {  	_ =	shalt  }
0x44: {  	_ =	shalt  }
0x45: {  	_ =	shalt  }
0x46: {  	_ =	shalt  }
0x47: {  	_ =	shalt  }
0x48: {  	_ =	shalt  }
0x49: {  	_ =	shalt  }
0x4a: {  	_ =	shalt  }
0x4b: {  	_ =	shalt  }
0x4c: {  	_ =	shalt  }
0x4d: {  	_ =	shalt  }
0x4e: {  	_ =	shalt  }
0x4f: {  	_ =	shalt  }
0x50: {  	_ =	shalt  }
0x51: {  	_ =	shalt  }
0x52: {  	_ =	shalt  }
0x53: {  	_ =	shalt  }
0x54: {  	_ =	shalt  }
0x55: {  	_ =	shalt  }
0x56: {  	_ =	shalt  }
0x57: {  	_ =	shalt  }
0x58: {  	_ =	shalt  }
0x59: {  	_ =	shalt  }
0x5a: {  	_ =	shalt  }
0x5b: {  	_ =	shalt  }
0x5c: {  	_ =	shalt  }
0x5d: {  	_ =	shalt  }
0x5e: {  	_ =	shalt  }
0x5f: {  	_ =	shalt  }
0x60: {  	_ =	shalt  }
0x61: {  	_ =	shalt  }
0x62: {  	_ =	shalt  }
0x63: {  	_ =	shalt  }
0x64: {  	_ =	shalt  }
0x65: {  	_ =	shalt  }
0x66: {  	_ =	shalt  }
0x67: {  	_ =	shalt  }
0x68: {  	_ =	shalt  }
0x69: {  	_ =	shalt  }
0x6a: {  	_ =	shalt  }
0x6b: {  	_ =	shalt  }
0x6c: {  	_ =	shalt  }
0x6d: {  	_ =	shalt  }
0x6e: {  	_ =	shalt  }
0x6f: {  	_ =	shalt  }
0x70: {  	_ =	shalt  }
0x71: {  	_ =	shalt  }
0x72: {  	_ =	shalt  }
0x73: {  	_ =	shalt  }
0x74: {  	_ =	shalt  }
0x75: {  	_ =	shalt  }
0x76: {  	_ =	shalt  }
0x77: {  	_ =	shalt  }
0x78: {  	_ =	shalt  }
0x79: {  	_ =	shalt  }
0x7a: {  	_ =	shalt  }
0x7b: {  	_ =	shalt  }
0x7c: {  	_ =	shalt  }
0x7d: {  	_ =	shalt  }
0x7e: {  	_ =	shalt  }
0x7f: {  	_ =	shalt  }
0x80: {  	_ =	shalt  }
0x81: {  	_ =	shalt  }
0x82: {  	_ =	shalt  }
0x83: {  	_ =	shalt  }
0x84: {  	_ =	shalt  }
0x85: {  	_ =	shalt  }
0x86: {  	_ =	shalt  }
0x87: {  	_ =	shalt  }
.Lfunc_end0:
.L_simem_size_0:
called_computation.1_lowered:
.L_overlay_start_0:
0x88: {  	s2 =	sld [smem:$0x3FD9]  }
0x89: {  	s3 =	sld [smem:$0x3FFE];
	_ =	sdelay $0x1  }
0x8a: {  	s1 =	srdreg.scid  }
0x8b: {  	s0 =	sand.u32 $0x1, s1  }
0x8c: {  	s17 =	sshll.u32 s0, $0xA;
	s2 =	sadd.s32 s3, s2  }
0x8d: {  	s2 =	sadd.s32 s2, s17  }
0x8e: {  	[smem:$0x3FC0] =	sst s2  }
0x8f: {  	_ = 	snop  }
0x90: {  	s2 =	sld [smem:$0x3FD0];
	(tm) =	ssettm $0x1  }
0x91: {  	s18 =	sld [smem:$0x3FFB];
	_ =	sdelay $0x3  }
0x92: {  	_ =	strace s18  }
0x93: {  	s3 =	sld [smem:$0x3FFC];
	_ =	sdelay $0x3  }
0x94: {  	_ =	strace s3  }
0x95: {  	s3 =	sld [smem:$0x3FFD];
	_ =	sdelay $0x3  }
0x96: {  	_ =	strace s3  }
0x97: {  	_ =	strace $0x8FFFFFFF  }
0x98: {  	s19 =	sld [smem:$0x3FDB];
	_ =	sdelay $0x1  }
0x99: {  	s4 =	simm.s32 $_scs_section_size  }
0x9a: {  	s5 =	simm.s32 $_size__tile_overlayer_lowered;
	s6 =	simm.s32 $_tile_overlayer_lowered  }
0x9b: {  	s22 =	simm.s32 $0x1BFF;
	s21 =	sshll.u32 s6, $0x1;
	s3 =	sadd.s32 s4, s19  }
0x9c: {  	s7 =	simm.s32 $0x0;
	s20 =	sshll.u32 s5, $0x1;
	s5 =	sadd.s32 s21, s3  }
0x9d: {  	[timem:s7], [sflag:s22] =	dma.local [hbm:s5], s20  }
0x9e: {  	_ =	swait.ge [sflag:s22], s20  }
0x9f: {  	s4 =	ssub.s32 $0x0, s20;
	[sflag:s22] =	ssyncset.done $0x0  }
0xa0: {  	[sflag:s22] =	ssyncadd.s32 s4;
	_ =	sdelay $0x1  }
0xa1: {  	s23 =	simm.s32 $0x1B8B  }
0xa2: {  	_ =	swait.ge [sflag:s23], $0x1  }
0xa3: {  	[sflag:s23] =	ssyncset.done $0x0  }
0xa4: {  	s25 =	simm.s32 $0x1B8E;
	s24 =	sld [smem:$0x3FFE];
	[sflag:s23] =	ssyncadd.s32 $0xFFFFFFFF  }
0xa5: {  	s26 =	simm.s32 $execute0_lowered;
	[smem:$0x3FD2] =	sst s25  }
0xa6: {  	s5 =	sshll.u32 s26, $0x1;
	_ =	strace $0x80000049;
	[dreg:$0x1] =	wrdreg $0xFFFFFFFF  }
0xa7: {  	s28 =	simm.s32 $_size_execute0_lowered;
	s3 =	sadd.s32 s3, s5;
	[dreg:$0x0] =	wrdreg $0x0  }
0xa8: {  	s5 =	sshll.u32 s28, $0x1;
	[dreg:$0x2] =	wrdreg s3  }
0xa9: {  	[dreg:$0x3] =	wrdreg s5  }
0xaa: {  	[dreg:$0x4] =	wrdreg $0xC0  }
0xab: {  	_ =	task [dreg:s7], $0x5FFFF  }
0xac: {  	[dreg:$0x1] =	wrdreg $0xFFFFFFFF  }
0xad: {  	[dreg:$0x0] =	wrdreg $0x60  }
0xae: {  	[dreg:$0x2] =	wrdreg s24  }
0xaf: {  	[dreg:$0x3] =	wrdreg s2  }
0xb0: {  	[dreg:$0x4] =	wrdreg $0x9  }
0xb1: {  	_ =	task.clear_ibuf [dreg:s7], $0x5FFFF;
	_ =	strace $0x90000049  }
0xb2: {  	s29 =	simm.s32 $0x9;
	_ =	strace $0x8000004B  }
0xb3: {  	_ =	swait.ge [sflag:s29], $0x1  }
0xb4: {  	[sflag:s29] =	ssyncadd.s32 $0xFFFFFFFF  }
0xb5: {  	_ =	strace $0x9000004B  }
0xb6: {  	_ =	sfence  }
0xb7: {  	s30 =	sld [smem:$0x0];
	_ =	sdelay $0x2  }
0xb8: {  	s31 =	sshll.u32 s1, $0xD;
	s1 =	sshrl.u32 s1, $0x2  }
0xb9: {  	s3 =	sand.u32 $0x4000, s31;
	s1 =	sadd.s32 s1, s30  }
0xba: {  	s0 =	sor.u32 s3, s0;
	s1 =	sshll.u32 s1, $0x11  }
0xbb: {  	s0 =	sor.u32 s1, s0  }
0xbc: {  	s0 =	sadd.s32 $0x8F2B, s0  }
0xbd: {  	[sflag:s0] =	ssyncadd.remote.s32 $0x1  }
0xbe: {  	_ =	sfence.sel $0xFFFF  }
0xbf: {  	[dreg:$0x0] =	wrdreg $0xFFFFFFFF;
	(pc) =	sbr.abs _section_cstart, $3  }
0xc0: {  	[dreg:$0x1] =	wrdreg $0xFFFFFFFF  }
0xc1: {  	_ =	task.clear_ibuf [dreg:s7], $0x2FFFF;
	_ =	strace $0x9FFFFFFF  }
0xc2: {  	(tm) =	ssettm $0x7FFFFFFF  }
0xc3: {  	_ =	shalt  }
tec
execute0_lowered:
.L_overlay_start_1:
0x0: {  	(tag) =	ssettag $0x1  }
0x1: {  	s0 =	rddreg [dreg:$0x0]  }
0x2: {  	s1 =	rddreg [dreg:$0x1]  }
0x3: {  	s2 =	srdreg.scid;
	s3 =	stileid.u32;
	s17 =	simm.s32 $0x3  }
0x4: {  	s18 =	simm.s32 $0x2;
	s19 =	simm.s32 $0x4;
	s21 =	simm.s32 $0x1100  }
0x5: {  	s22 =	simm.s32 $0x1900;
	s23 =	simm.s32 $0x2100;
	s29 =	simm.s32 $0x4100  }
0x6: {  	s30 =	simm.s32 $0x4900;
	s31 =	simm.s32 $0x5100;
	s9 =	simm.s32 $0x6900  }
0x7: {  	s10 =	simm.s32 $0x7100;
	s11 =	simm.s32 $0x7900;
	s16 =	simm.s32 $0x8100  }
0x8: {  	s12 =	simm.s32 $0x8900;
	s13 =	simm.s32 $0x9100;
	s14 =	simm.s32 $0x9900  }
0x9: {  	s15 =	simm.s32 $0xA100;
	s8 =	simm.s32 $0xB100;
	s4 =	sand.u32 $0x1, s2  }
0xa: {  	s2 =	simm.s32 $0x0;
	s3 =	sshll.u32 s3, $0x9;
	s5 =	sshll.u32 s4, $0x8  }
0xb: {  	[smem:$0x7FF] =	sst s2;
	s7 =	ssub.s32 $0x2, s4;
	s5 =	sor.u32 s5, s3  }
0xc: {  	s4 =	simm.s32 $0x3900;
	s6 =	sshrl.u32 s5, $0x3;
	s5 =	sshll.u32 s5, $0x6  }
0xd: {  	_ =	strace $0x8000004A;
	s6 =	sadd.s32 s6, s0;
	s24 =	sadd.s32 s1, s5  }
0xe: {  	s3 =	sadd.s32 $0xC2600, s0;
	s6 =	sadd.s32 $0xC2200, s6;
	[dreg:$0x7] =	wrdreg s24  }
0xf: {  	s25 =	sshrl.u32 s7, $0x1;
	s5 =	sadd.s32 $0x1000, s24;
	[dreg:$0x3] =	wrdreg s6  }
0x10: {  	s1 =	ssub.s32 s7, s25;
	s26 =	sadd.s32 $0x2000, s24;
	[dreg:$0x4] =	wrdreg s5  }
0x11: {  	v2 =	vlaneseq.u32;
	s25 =	simm.s32 $0x2900;
	s28 =	sadd.s32 $0x3000, s24;
	[dreg:$0x5] =	wrdreg s26  }
0x12: {  	vm0 =	vmmov $0xffff;
	v1 =	vshrl.u32 v2, $0x3;
	s24 =	simm.s32 $0x1;
	s5 =	sadd.s32 $0xC2700, s0;
	[dreg:$0x6] =	wrdreg s28  }
0x13: {  	v0 =	vand.u32 $0x7, v2;
	v2 =	vor.u32 $0x8, v2;
	v1 =	vmul.u32 $0x8, v1;
	s6 =	smax.u32 s1, $0x1;
	s26 =	simm.s32 $0x3100;
	s1 =	simm.s32 $0x6100  }
.LBB2_1:
0x14: {  	s20 =	rddreg [dreg:$0x3];
	s0 =	simm.s32 $0x5  }
0x15: {  	[tilespmem:s2], [sflag:$0x5] =	stream.linear.gather [hbm4b:s20+s2], $0x100, $0x38;
	[tilespmem:$0x10100] =	vst v63  }
0x16: {  	_ =	swait.ge [sflag:s0], $0x100  }
0x17: {  	[sflag:s0] =	ssyncset.done $0x0  }
0x18: {  	[sflag:s0] =	ssyncadd.s32 $0xFFFFFF00  }
0x19: {  	v3 =	vld [tilespmem:$0x0];
	_ =	sdelay $0x4  }
0x1a: {  	v4 =	vshll.u32 v3, $0x2  }
0x1b: {  	v3 =	vand.u32 $0x7, v3;
	v4 =	vand.u32 $0xFFFFFFE0, v4  }
0x1c: {  	v3 =	vor.u32 v3, v4  }
0x1d: {  	v4 =	vperm.xlane v3, v0;
	_ =	sdelay $0x1  }
0x1e: {  	v4 =	vadd.s32 v1, v4;
	_ =	sdelay $0x1  }
0x1f: {  	v3 =	vperm.xlane v3, v2;
	_ =	sdelay $0x1  }
0x20: {  	s28 =	simm.s32 $0x100;
	v3 =	vadd.s32 v1, v3  }
0x21: {  	[tilespmem:s28], [sflag:$0x1] =	stream.indirect_vreg.gather [hbm4b:s3+s2], $0x80, v4, vm0, $0xb8;
	[tilespmem:$0x10100] =	vst v63  }
0x22: {  	s20 =	simm.s32 $0x900  }
0x23: {  	[tilespmem:s20], [sflag:$0x1] =	stream.indirect_vreg.gather [hbm4b:s5+s2], $0x80, v4, vm0, $0xb8;
	[tilespmem:$0x10100] =	vst v63  }
0x24: {  	_ = 	snop  }
0x25: {  	[tilespmem:s21], [sflag:$0x1] =	stream.indirect_vreg.gather [hbm4b:s3+s2], $0x80, v3, vm0, $0xb8;
	[tilespmem:$0x10100] =	vst v63  }
0x26: {  	_ = 	snop  }
0x27: {  	[tilespmem:s22], [sflag:$0x1] =	stream.indirect_vreg.gather [hbm4b:s5+s2], $0x80, v3, vm0, $0xb8;
	[tilespmem:$0x10100] =	vst v63  }
0x28: {  	v3 =	vld [tilespmem:$0x10];
	_ =	sdelay $0x4  }
0x29: {  	v49 =	vshll.u32 v3, $0x2  }
0x2a: {  	v3 =	vand.u32 $0x7, v3;
	v4 =	vand.u32 $0xFFFFFFE0, v49  }
0x2b: {  	v3 =	vor.u32 v3, v4  }
0x2c: {  	v4 =	vperm.xlane v3, v0;
	_ =	sdelay $0x1  }
0x2d: {  	v4 =	vadd.s32 v1, v4;
	_ =	sdelay $0x1  }
0x2e: {  	v3 =	vperm.xlane v3, v2;
	_ =	sdelay $0x1  }
0x2f: {  	v3 =	vadd.s32 v1, v3  }
0x30: {  	[tilespmem:s23], [sflag:$0x1] =	stream.indirect_vreg.gather [hbm4b:s3+s2], $0x80, v4, vm0, $0xb8;
	[tilespmem:$0x10100] =	vst v63  }
0x31: {  	_ = 	snop  }
0x32: {  	[tilespmem:s25], [sflag:$0x1] =	stream.indirect_vreg.gather [hbm4b:s5+s2], $0x80, v4, vm0, $0xb8;
	[tilespmem:$0x10100] =	vst v63  }
0x33: {  	_ = 	snop  }
0x34: {  	[tilespmem:s26], [sflag:$0x1] =	stream.indirect_vreg.gather [hbm4b:s3+s2], $0x80, v3, vm0, $0xb8;
	[tilespmem:$0x10100] =	vst v63  }
0x35: {  	_ = 	snop  }
0x36: {  	[tilespmem:s4], [sflag:$0x1] =	stream.indirect_vreg.gather [hbm4b:s5+s2], $0x80, v3, vm0, $0xb8;
	[tilespmem:$0x10100] =	vst v63  }
0x37: {  	v3 =	vld [tilespmem:$0x20];
	_ =	sdelay $0x4  }
0x38: {  	v50 =	vshll.u32 v3, $0x2  }
0x39: {  	v3 =	vand.u32 $0x7, v3;
	v4 =	vand.u32 $0xFFFFFFE0, v50  }
0x3a: {  	v3 =	vor.u32 v3, v4  }
0x3b: {  	v4 =	vperm.xlane v3, v0;
	_ =	sdelay $0x1  }
0x3c: {  	v4 =	vadd.s32 v1, v4;
	_ =	sdelay $0x1  }
0x3d: {  	v3 =	vperm.xlane v3, v2;
	_ =	sdelay $0x1  }
0x3e: {  	v3 =	vadd.s32 v1, v3  }
0x3f: {  	[tilespmem:s29], [sflag:$0x1] =	stream.indirect_vreg.gather [hbm4b:s3+s2], $0x80, v4, vm0, $0xb8;
	[tilespmem:$0x10100] =	vst v63  }
0x40: {  	_ = 	snop  }
0x41: {  	[tilespmem:s30], [sflag:$0x1] =	stream.indirect_vreg.gather [hbm4b:s5+s2], $0x80, v4, vm0, $0xb8;
	[tilespmem:$0x10100] =	vst v63  }
0x42: {  	_ = 	snop  }
0x43: {  	[tilespmem:s31], [sflag:$0x1] =	stream.indirect_vreg.gather [hbm4b:s3+s2], $0x80, v3, vm0, $0xb8;
	[tilespmem:$0x10100] =	vst v63  }
0x44: {  	s0 =	simm.s32 $0x5900  }
0x45: {  	[tilespmem:s0], [sflag:$0x1] =	stream.indirect_vreg.gather [hbm4b:s5+s2], $0x80, v3, vm0, $0xb8;
	[tilespmem:$0x10100] =	vst v63  }
0x46: {  	v3 =	vld [tilespmem:$0x30];
	_ =	sdelay $0x4  }
0x47: {  	v51 =	vshll.u32 v3, $0x2  }
0x48: {  	v3 =	vand.u32 $0x7, v3;
	v4 =	vand.u32 $0xFFFFFFE0, v51  }
0x49: {  	v3 =	vor.u32 v3, v4  }
0x4a: {  	v4 =	vperm.xlane v3, v0;
	_ =	sdelay $0x1  }
0x4b: {  	v4 =	vadd.s32 v1, v4;
	_ =	sdelay $0x1  }
0x4c: {  	v3 =	vperm.xlane v3, v2;
	_ =	sdelay $0x1  }
0x4d: {  	v3 =	vadd.s32 v1, v3  }
0x4e: {  	[tilespmem:s1], [sflag:$0x1] =	stream.indirect_vreg.gather [hbm4b:s3+s2], $0x80, v4, vm0, $0xb8;
	[tilespmem:$0x10100] =	vst v63  }
0x4f: {  	_ = 	snop  }
0x50: {  	[tilespmem:s9], [sflag:$0x1] =	stream.indirect_vreg.gather [hbm4b:s5+s2], $0x80, v4, vm0, $0xb8;
	[tilespmem:$0x10100] =	vst v63  }
0x51: {  	_ = 	snop  }
0x52: {  	[tilespmem:s10], [sflag:$0x1] =	stream.indirect_vreg.gather [hbm4b:s3+s2], $0x80, v3, vm0, $0xb8;
	[tilespmem:$0x10100] =	vst v63  }
0x53: {  	_ = 	snop  }
0x54: {  	[tilespmem:s11], [sflag:$0x1] =	stream.indirect_vreg.gather [hbm4b:s5+s2], $0x80, v3, vm0, $0xb8;
	[tilespmem:$0x10100] =	vst v63  }
0x55: {  	v3 =	vld [tilespmem:$0x40];
	_ =	sdelay $0x4  }
0x56: {  	v52 =	vshll.u32 v3, $0x2  }
0x57: {  	v3 =	vand.u32 $0x7, v3;
	v4 =	vand.u32 $0xFFFFFFE0, v52  }
0x58: {  	v3 =	vor.u32 v3, v4  }
0x59: {  	v4 =	vperm.xlane v3, v0;
	_ =	sdelay $0x1  }
0x5a: {  	v4 =	vadd.s32 v1, v4;
	_ =	sdelay $0x1  }
0x5b: {  	v3 =	vperm.xlane v3, v2;
	_ =	sdelay $0x1  }
0x5c: {  	v3 =	vadd.s32 v1, v3  }
0x5d: {  	[tilespmem:s16], [sflag:$0x2] =	stream.indirect_vreg.gather [hbm4b:s3+s2], $0x80, v4, vm0, $0xb8;
	[tilespmem:$0x10100] =	vst v63  }
0x5e: {  	_ = 	snop  }
0x5f: {  	[tilespmem:s12], [sflag:$0x2] =	stream.indirect_vreg.gather [hbm4b:s5+s2], $0x80, v4, vm0, $0xb8;
	[tilespmem:$0x10100] =	vst v63  }
0x60: {  	_ = 	snop  }
0x61: {  	[tilespmem:s13], [sflag:$0x2] =	stream.indirect_vreg.gather [hbm4b:s3+s2], $0x80, v3, vm0, $0xb8;
	[tilespmem:$0x10100] =	vst v63  }
0x62: {  	_ = 	snop  }
0x63: {  	[tilespmem:s14], [sflag:$0x2] =	stream.indirect_vreg.gather [hbm4b:s5+s2], $0x80, v3, vm0, $0xb8;
	[tilespmem:$0x10100] =	vst v63  }
0x64: {  	v3 =	vld [tilespmem:$0x50];
	_ =	sdelay $0x4  }
0x65: {  	v53 =	vshll.u32 v3, $0x2  }
0x66: {  	v3 =	vand.u32 $0x7, v3;
	v4 =	vand.u32 $0xFFFFFFE0, v53  }
0x67: {  	v3 =	vor.u32 v3, v4  }
0x68: {  	v4 =	vperm.xlane v3, v0;
	_ =	sdelay $0x1  }
0x69: {  	v4 =	vadd.s32 v1, v4;
	_ =	sdelay $0x1  }
0x6a: {  	v3 =	vperm.xlane v3, v2;
	_ =	sdelay $0x1  }
0x6b: {  	v3 =	vadd.s32 v1, v3  }
0x6c: {  	[tilespmem:s15], [sflag:$0x2] =	stream.indirect_vreg.gather [hbm4b:s3+s2], $0x80, v4, vm0, $0xb8;
	[tilespmem:$0x10100] =	vst v63  }
0x6d: {  	s7 =	simm.s32 $0xA900  }
0x6e: {  	[tilespmem:s7], [sflag:$0x2] =	stream.indirect_vreg.gather [hbm4b:s5+s2], $0x80, v4, vm0, $0xb8;
	[tilespmem:$0x10100] =	vst v63  }
0x6f: {  	_ = 	snop  }
0x70: {  	[tilespmem:s8], [sflag:$0x2] =	stream.indirect_vreg.gather [hbm4b:s3+s2], $0x80, v3, vm0, $0xb8;
	[tilespmem:$0x10100] =	vst v63  }
0x71: {  	s28 =	simm.s32 $0xB900  }
0x72: {  	[tilespmem:s28], [sflag:$0x2] =	stream.indirect_vreg.gather [hbm4b:s5+s2], $0x80, v3, vm0, $0xb8;
	[tilespmem:$0x10100] =	vst v63  }
0x73: {  	v3 =	vld [tilespmem:$0x60];
	_ =	sdelay $0x4  }
0x74: {  	v54 =	vshll.u32 v3, $0x2  }
0x75: {  	v3 =	vand.u32 $0x7, v3;
	v4 =	vand.u32 $0xFFFFFFE0, v54  }
0x76: {  	v3 =	vor.u32 v3, v4  }
0x77: {  	v4 =	vperm.xlane v3, v0;
	_ =	sdelay $0x1  }
0x78: {  	v4 =	vadd.s32 v1, v4;
	_ =	sdelay $0x1  }
0x79: {  	v3 =	vperm.xlane v3, v2;
	_ =	sdelay $0x1  }
0x7a: {  	s7 =	simm.s32 $0xC100;
	v3 =	vadd.s32 v1, v3  }
0x7b: {  	[tilespmem:s7], [sflag:$0x2] =	stream.indirect_vreg.gather [hbm4b:s3+s2], $0x80, v4, vm0, $0xb8;
	[tilespmem:$0x10100] =	vst v63  }
0x7c: {  	s7 =	simm.s32 $0xC900  }
0x7d: {  	[tilespmem:s7], [sflag:$0x2] =	stream.indirect_vreg.gather [hbm4b:s5+s2], $0x80, v4, vm0, $0xb8;
	[tilespmem:$0x10100] =	vst v63  }
0x7e: {  	s7 =	simm.s32 $0xD100  }
0x7f: {  	[tilespmem:s7], [sflag:$0x2] =	stream.indirect_vreg.gather [hbm4b:s3+s2], $0x80, v3, vm0, $0xb8;
	[tilespmem:$0x10100] =	vst v63  }
0x80: {  	s7 =	simm.s32 $0xD900  }
0x81: {  	[tilespmem:s7], [sflag:$0x2] =	stream.indirect_vreg.gather [hbm4b:s5+s2], $0x80, v3, vm0, $0xb8;
	[tilespmem:$0x10100] =	vst v63  }
0x82: {  	v3 =	vld [tilespmem:$0x70];
	_ =	sdelay $0x4  }
0x83: {  	v55 =	vshll.u32 v3, $0x2  }
0x84: {  	v3 =	vand.u32 $0x7, v3;
	v4 =	vand.u32 $0xFFFFFFE0, v55  }
0x85: {  	v3 =	vor.u32 v3, v4  }
0x86: {  	v4 =	vperm.xlane v3, v0;
	_ =	sdelay $0x1  }
0x87: {  	v4 =	vadd.s32 v1, v4;
	_ =	sdelay $0x1  }
0x88: {  	v3 =	vperm.xlane v3, v2;
	_ =	sdelay $0x1  }
0x89: {  	s7 =	simm.s32 $0xE100;
	v3 =	vadd.s32 v1, v3  }
0x8a: {  	[tilespmem:s7], [sflag:$0x2] =	stream.indirect_vreg.gather [hbm4b:s3+s2], $0x80, v4, vm0, $0xb8;
	[tilespmem:$0x10100] =	vst v63  }
0x8b: {  	s7 =	simm.s32 $0xE900  }
0x8c: {  	[tilespmem:s7], [sflag:$0x2] =	stream.indirect_vreg.gather [hbm4b:s5+s2], $0x80, v4, vm0, $0xb8;
	[tilespmem:$0x10100] =	vst v63  }
0x8d: {  	s7 =	simm.s32 $0xF100  }
0x8e: {  	[tilespmem:s7], [sflag:$0x2] =	stream.indirect_vreg.gather [hbm4b:s3+s2], $0x80, v3, vm0, $0xb8;
	[tilespmem:$0x10100] =	vst v63  }
0x8f: {  	s7 =	simm.s32 $0xF900  }
0x90: {  	[tilespmem:s7], [sflag:$0x2] =	stream.indirect_vreg.gather [hbm4b:s5+s2], $0x80, v3, vm0, $0xb8;
	[tilespmem:$0x10100] =	vst v63  }
0x91: {  	_ =	swait.ge [sflag:s24], $0x8000  }
0x92: {  	[sflag:s24] =	ssyncset.done $0x0  }
0x93: {  	s7 =	simm.s32 $0x100;
	s28 =	rddreg [dreg:$0x7];
	[sflag:s24] =	ssyncadd.s32 $0xFFFF8000  }
0x94: {  	[hbm4b:s28+s2] =	stream.linear.scatter [tilespmem:s7], [sflag:$0x3], $0x8000, $0x38;
	[tilespmem:$0x10100] =	vst v63  }
0x95: {  	_ =	swait.ge [sflag:s17], $0x8000  }
0x96: {  	[sflag:s17] =	ssyncset.done $0x0  }
0x97: {  	[sflag:s17] =	ssyncadd.s32 $0xFFFF8000  }
0x98: {  	v3 =	vld [tilespmem:$0x80];
	_ =	sdelay $0x4  }
0x99: {  	v56 =	vshll.u32 v3, $0x2  }
0x9a: {  	v3 =	vand.u32 $0x7, v3;
	v4 =	vand.u32 $0xFFFFFFE0, v56  }
0x9b: {  	v3 =	vor.u32 v3, v4  }
0x9c: {  	v4 =	vperm.xlane v3, v0;
	_ =	sdelay $0x1  }
0x9d: {  	v4 =	vadd.s32 v1, v4;
	_ =	sdelay $0x1  }
0x9e: {  	v3 =	vperm.xlane v3, v2;
	_ =	sdelay $0x1  }
0x9f: {  	s28 =	simm.s32 $0x100;
	v3 =	vadd.s32 v1, v3  }
0xa0: {  	[tilespmem:s28], [sflag:$0x1] =	stream.indirect_vreg.gather [hbm4b:s3+s2], $0x80, v4, vm0, $0xb8;
	[tilespmem:$0x10100] =	vst v63  }
0xa1: {  	_ = 	snop  }
0xa2: {  	[tilespmem:s20], [sflag:$0x1] =	stream.indirect_vreg.gather [hbm4b:s5+s2], $0x80, v4, vm0, $0xb8;
	[tilespmem:$0x10100] =	vst v63  }
0xa3: {  	_ = 	snop  }
0xa4: {  	[tilespmem:s21], [sflag:$0x1] =	stream.indirect_vreg.gather [hbm4b:s3+s2], $0x80, v3, vm0, $0xb8;
	[tilespmem:$0x10100] =	vst v63  }
0xa5: {  	_ = 	snop  }
0xa6: {  	[tilespmem:s22], [sflag:$0x1] =	stream.indirect_vreg.gather [hbm4b:s5+s2], $0x80, v3, vm0, $0xb8;
	[tilespmem:$0x10100] =	vst v63  }
0xa7: {  	v3 =	vld [tilespmem:$0x90];
	_ =	sdelay $0x4  }
0xa8: {  	v57 =	vshll.u32 v3, $0x2  }
0xa9: {  	v3 =	vand.u32 $0x7, v3;
	v4 =	vand.u32 $0xFFFFFFE0, v57  }
0xaa: {  	v3 =	vor.u32 v3, v4  }
0xab: {  	v4 =	vperm.xlane v3, v0;
	_ =	sdelay $0x1  }
0xac: {  	v4 =	vadd.s32 v1, v4;
	_ =	sdelay $0x1  }
0xad: {  	v3 =	vperm.xlane v3, v2;
	_ =	sdelay $0x1  }
0xae: {  	v3 =	vadd.s32 v1, v3  }
0xaf: {  	[tilespmem:s23], [sflag:$0x1] =	stream.indirect_vreg.gather [hbm4b:s3+s2], $0x80, v4, vm0, $0xb8;
	[tilespmem:$0x10100] =	vst v63  }
0xb0: {  	_ = 	snop  }
0xb1: {  	[tilespmem:s25], [sflag:$0x1] =	stream.indirect_vreg.gather [hbm4b:s5+s2], $0x80, v4, vm0, $0xb8;
	[tilespmem:$0x10100] =	vst v63  }
0xb2: {  	_ = 	snop  }
0xb3: {  	[tilespmem:s26], [sflag:$0x1] =	stream.indirect_vreg.gather [hbm4b:s3+s2], $0x80, v3, vm0, $0xb8;
	[tilespmem:$0x10100] =	vst v63  }
0xb4: {  	_ = 	snop  }
0xb5: {  	[tilespmem:s4], [sflag:$0x1] =	stream.indirect_vreg.gather [hbm4b:s5+s2], $0x80, v3, vm0, $0xb8;
	[tilespmem:$0x10100] =	vst v63  }
0xb6: {  	v3 =	vld [tilespmem:$0xA0];
	_ =	sdelay $0x4  }
0xb7: {  	v58 =	vshll.u32 v3, $0x2  }
0xb8: {  	v3 =	vand.u32 $0x7, v3;
	v4 =	vand.u32 $0xFFFFFFE0, v58  }
0xb9: {  	v3 =	vor.u32 v3, v4  }
0xba: {  	v4 =	vperm.xlane v3, v0;
	_ =	sdelay $0x1  }
0xbb: {  	v4 =	vadd.s32 v1, v4;
	_ =	sdelay $0x1  }
0xbc: {  	v3 =	vperm.xlane v3, v2;
	_ =	sdelay $0x1  }
0xbd: {  	v3 =	vadd.s32 v1, v3  }
0xbe: {  	[tilespmem:s29], [sflag:$0x1] =	stream.indirect_vreg.gather [hbm4b:s3+s2], $0x80, v4, vm0, $0xb8;
	[tilespmem:$0x10100] =	vst v63  }
0xbf: {  	_ = 	snop  }
0xc0: {  	[tilespmem:s30], [sflag:$0x1] =	stream.indirect_vreg.gather [hbm4b:s5+s2], $0x80, v4, vm0, $0xb8;
	[tilespmem:$0x10100] =	vst v63  }
0xc1: {  	_ = 	snop  }
0xc2: {  	[tilespmem:s31], [sflag:$0x1] =	stream.indirect_vreg.gather [hbm4b:s3+s2], $0x80, v3, vm0, $0xb8;
	[tilespmem:$0x10100] =	vst v63  }
0xc3: {  	_ = 	snop  }
0xc4: {  	[tilespmem:s0], [sflag:$0x1] =	stream.indirect_vreg.gather [hbm4b:s5+s2], $0x80, v3, vm0, $0xb8;
	[tilespmem:$0x10100] =	vst v63  }
0xc5: {  	v3 =	vld [tilespmem:$0xB0];
	_ =	sdelay $0x4  }
0xc6: {  	v59 =	vshll.u32 v3, $0x2  }
0xc7: {  	v3 =	vand.u32 $0x7, v3;
	v4 =	vand.u32 $0xFFFFFFE0, v59  }
0xc8: {  	v3 =	vor.u32 v3, v4  }
0xc9: {  	v4 =	vperm.xlane v3, v0;
	_ =	sdelay $0x1  }
0xca: {  	v4 =	vadd.s32 v1, v4;
	_ =	sdelay $0x1  }
0xcb: {  	v3 =	vperm.xlane v3, v2;
	_ =	sdelay $0x1  }
0xcc: {  	v3 =	vadd.s32 v1, v3  }
0xcd: {  	[tilespmem:s1], [sflag:$0x1] =	stream.indirect_vreg.gather [hbm4b:s3+s2], $0x80, v4, vm0, $0xb8;
	[tilespmem:$0x10100] =	vst v63  }
0xce: {  	_ = 	snop  }
0xcf: {  	[tilespmem:s9], [sflag:$0x1] =	stream.indirect_vreg.gather [hbm4b:s5+s2], $0x80, v4, vm0, $0xb8;
	[tilespmem:$0x10100] =	vst v63  }
0xd0: {  	_ = 	snop  }
0xd1: {  	[tilespmem:s10], [sflag:$0x1] =	stream.indirect_vreg.gather [hbm4b:s3+s2], $0x80, v3, vm0, $0xb8;
	[tilespmem:$0x10100] =	vst v63  }
0xd2: {  	_ = 	snop  }
0xd3: {  	[tilespmem:s11], [sflag:$0x1] =	stream.indirect_vreg.gather [hbm4b:s5+s2], $0x80, v3, vm0, $0xb8;
	[tilespmem:$0x10100] =	vst v63  }
0xd4: {  	_ =	swait.ge [sflag:s18], $0x8000  }
0xd5: {  	[sflag:s18] =	ssyncset.done $0x0  }
0xd6: {  	s0 =	rddreg [dreg:$0x4];
	[sflag:s18] =	ssyncadd.s32 $0xFFFF8000  }
0xd7: {  	[hbm4b:s0+s2] =	stream.linear.scatter [tilespmem:s16], [sflag:$0x4], $0x8000, $0x38;
	[tilespmem:$0x10100] =	vst v63  }
0xd8: {  	_ =	swait.ge [sflag:s19], $0x8000  }
0xd9: {  	[sflag:s19] =	ssyncset.done $0x0  }
0xda: {  	[sflag:s19] =	ssyncadd.s32 $0xFFFF8000  }
0xdb: {  	v3 =	vld [tilespmem:$0xC0];
	_ =	sdelay $0x4  }
0xdc: {  	v60 =	vshll.u32 v3, $0x2  }
0xdd: {  	v3 =	vand.u32 $0x7, v3;
	v4 =	vand.u32 $0xFFFFFFE0, v60  }
0xde: {  	v3 =	vor.u32 v3, v4  }
0xdf: {  	v4 =	vperm.xlane v3, v0;
	_ =	sdelay $0x1  }
0xe0: {  	v4 =	vadd.s32 v1, v4;
	_ =	sdelay $0x1  }
0xe1: {  	v3 =	vperm.xlane v3, v2;
	_ =	sdelay $0x1  }
0xe2: {  	v3 =	vadd.s32 v1, v3  }
0xe3: {  	[tilespmem:s16], [sflag:$0x2] =	stream.indirect_vreg.gather [hbm4b:s3+s2], $0x80, v4, vm0, $0xb8;
	[tilespmem:$0x10100] =	vst v63  }
0xe4: {  	_ = 	snop  }
0xe5: {  	[tilespmem:s12], [sflag:$0x2] =	stream.indirect_vreg.gather [hbm4b:s5+s2], $0x80, v4, vm0, $0xb8;
	[tilespmem:$0x10100] =	vst v63  }
0xe6: {  	_ = 	snop  }
0xe7: {  	[tilespmem:s13], [sflag:$0x2] =	stream.indirect_vreg.gather [hbm4b:s3+s2], $0x80, v3, vm0, $0xb8;
	[tilespmem:$0x10100] =	vst v63  }
0xe8: {  	_ = 	snop  }
0xe9: {  	[tilespmem:s14], [sflag:$0x2] =	stream.indirect_vreg.gather [hbm4b:s5+s2], $0x80, v3, vm0, $0xb8;
	[tilespmem:$0x10100] =	vst v63  }
0xea: {  	v3 =	vld [tilespmem:$0xD0];
	_ =	sdelay $0x4  }
0xeb: {  	v61 =	vshll.u32 v3, $0x2  }
0xec: {  	v3 =	vand.u32 $0x7, v3;
	v4 =	vand.u32 $0xFFFFFFE0, v61  }
0xed: {  	v3 =	vor.u32 v3, v4  }
0xee: {  	v4 =	vperm.xlane v3, v0;
	_ =	sdelay $0x1  }
0xef: {  	v4 =	vadd.s32 v1, v4;
	_ =	sdelay $0x1  }
0xf0: {  	v3 =	vperm.xlane v3, v2;
	_ =	sdelay $0x1  }
0xf1: {  	v3 =	vadd.s32 v1, v3  }
0xf2: {  	[tilespmem:s15], [sflag:$0x2] =	stream.indirect_vreg.gather [hbm4b:s3+s2], $0x80, v4, vm0, $0xb8;
	[tilespmem:$0x10100] =	vst v63  }
0xf3: {  	s7 =	simm.s32 $0xA900  }
0xf4: {  	[tilespmem:s7], [sflag:$0x2] =	stream.indirect_vreg.gather [hbm4b:s5+s2], $0x80, v4, vm0, $0xb8;
	[tilespmem:$0x10100] =	vst v63  }
0xf5: {  	_ = 	snop  }
0xf6: {  	[tilespmem:s8], [sflag:$0x2] =	stream.indirect_vreg.gather [hbm4b:s3+s2], $0x80, v3, vm0, $0xb8;
	[tilespmem:$0x10100] =	vst v63  }
0xf7: {  	s20 =	simm.s32 $0xB900  }
0xf8: {  	[tilespmem:s20], [sflag:$0x2] =	stream.indirect_vreg.gather [hbm4b:s5+s2], $0x80, v3, vm0, $0xb8;
	[tilespmem:$0x10100] =	vst v63  }
0xf9: {  	v3 =	vld [tilespmem:$0xE0];
	_ =	sdelay $0x4  }
0xfa: {  	v62 =	vshll.u32 v3, $0x2  }
0xfb: {  	v3 =	vand.u32 $0x7, v3;
	v4 =	vand.u32 $0xFFFFFFE0, v62  }
0xfc: {  	v3 =	vor.u32 v3, v4  }
0xfd: {  	v4 =	vperm.xlane v3, v0;
	_ =	sdelay $0x1  }
0xfe: {  	v4 =	vadd.s32 v1, v4;
	_ =	sdelay $0x1  }
0xff: {  	v3 =	vperm.xlane v3, v2;
	_ =	sdelay $0x1  }
0x100: {  	s7 =	simm.s32 $0xC100;
	v3 =	vadd.s32 v1, v3  }
0x101: {  	[tilespmem:s7], [sflag:$0x2] =	stream.indirect_vreg.gather [hbm4b:s3+s2], $0x80, v4, vm0, $0xb8;
	[tilespmem:$0x10100] =	vst v63  }
0x102: {  	s20 =	simm.s32 $0xC900  }
0x103: {  	[tilespmem:s20], [sflag:$0x2] =	stream.indirect_vreg.gather [hbm4b:s5+s2], $0x80, v4, vm0, $0xb8;
	[tilespmem:$0x10100] =	vst v63  }
0x104: {  	s7 =	simm.s32 $0xD100  }
0x105: {  	[tilespmem:s7], [sflag:$0x2] =	stream.indirect_vreg.gather [hbm4b:s3+s2], $0x80, v3, vm0, $0xb8;
	[tilespmem:$0x10100] =	vst v63  }
0x106: {  	s20 =	simm.s32 $0xD900  }
0x107: {  	[tilespmem:s20], [sflag:$0x2] =	stream.indirect_vreg.gather [hbm4b:s5+s2], $0x80, v3, vm0, $0xb8;
	[tilespmem:$0x10100] =	vst v63  }
0x108: {  	v3 =	vld [tilespmem:$0xF0];
	_ =	sdelay $0x4  }
0x109: {  	v63 =	vshll.u32 v3, $0x2  }
0x10a: {  	v3 =	vand.u32 $0x7, v3;
	v4 =	vand.u32 $0xFFFFFFE0, v63  }
0x10b: {  	v3 =	vor.u32 v3, v4  }
0x10c: {  	v4 =	vperm.xlane v3, v0;
	_ =	sdelay $0x1  }
0x10d: {  	v4 =	vadd.s32 v1, v4;
	_ =	sdelay $0x1  }
0x10e: {  	v3 =	vperm.xlane v3, v2;
	_ =	sdelay $0x1  }
0x10f: {  	s7 =	simm.s32 $0xE100;
	v3 =	vadd.s32 v1, v3  }
0x110: {  	[tilespmem:s7], [sflag:$0x2] =	stream.indirect_vreg.gather [hbm4b:s3+s2], $0x80, v4, vm0, $0xb8;
	[tilespmem:$0x10100] =	vst v63  }
0x111: {  	s20 =	simm.s32 $0xE900  }
0x112: {  	[tilespmem:s20], [sflag:$0x2] =	stream.indirect_vreg.gather [hbm4b:s5+s2], $0x80, v4, vm0, $0xb8;
	[tilespmem:$0x10100] =	vst v63  }
0x113: {  	s7 =	simm.s32 $0xF100  }
0x114: {  	[tilespmem:s7], [sflag:$0x2] =	stream.indirect_vreg.gather [hbm4b:s3+s2], $0x80, v3, vm0, $0xb8;
	[tilespmem:$0x10100] =	vst v63  }
0x115: {  	s20 =	simm.s32 $0xF900  }
0x116: {  	[tilespmem:s20], [sflag:$0x2] =	stream.indirect_vreg.gather [hbm4b:s5+s2], $0x80, v3, vm0, $0xb8;
	[tilespmem:$0x10100] =	vst v63  }
0x117: {  	_ =	swait.ge [sflag:s24], $0x8000  }
0x118: {  	[sflag:s24] =	ssyncset.done $0x0  }
0x119: {  	s7 =	rddreg [dreg:$0x5];
	[sflag:s24] =	ssyncadd.s32 $0xFFFF8000  }
0x11a: {  	[hbm4b:s7+s2] =	stream.linear.scatter [tilespmem:s28], [sflag:$0x3], $0x8000, $0x38;
	[tilespmem:$0x10100] =	vst v63  }
0x11b: {  	_ =	swait.ge [sflag:s18], $0x8000  }
0x11c: {  	[sflag:s18] =	ssyncset.done $0x0  }
0x11d: {  	s28 =	rddreg [dreg:$0x6];
	[sflag:s18] =	ssyncadd.s32 $0xFFFF8000  }
0x11e: {  	[hbm4b:s28+s2] =	stream.linear.scatter [tilespmem:s16], [sflag:$0x4], $0x8000, $0x38;
	[tilespmem:$0x10100] =	vst v63  }
0x11f: {  	p0 =	sne.s32 s6, $0x1;
	_ =	swait.ge [sflag:s17], $0x8000  }
.Ltmp0:
0x120: {  	[sflag:s17] =	ssyncset.done $0x0;
	(pc) =	sbr.rel @p0 .LBB2_1-.Ltmp0, $4  }
0x121: {  	[sflag:s17] =	ssyncadd.s32 $0xFFFF8000  }
0x122: {  	_ =	swait.ge [sflag:s19], $0x8000  }
0x123: {  	[sflag:s19] =	ssyncset.done $0x0  }
0x124: {  	s6 =	sadd.s32 $0xFFFFFFFF, s6;
	[sflag:s19] =	ssyncadd.s32 $0xFFFF8000  }
0x125: {  	_ =	sfence.sel $0x180000  }
0x126: {  	[bflag:$0x0] =	sbarrier.arrive $0xFFFF  }
0x127: {  	_ =	strace $0x9000004A  }
0x128: {  	s0 =	stileid.u32;
	[bflag:$0x2] =	sbarrier.arrive $0xFFFF  }
0x129: {  	p0 =	sne.s32 s0, $0x0;
	s0 =	rddreg [dreg:$0x2]  }
0x12a: {  	s0 =	sadd.s32 @!p0 $0x100000, s0  }
0x12b: {  	[sflag:s0] =	ssyncadd.tile.s32 @!p0 $0x1;
	_ =	shalt  }
.Lfunc_end2:
_tile_overlayer_lowered:
.L_overlay_start_2:
0x12c: {  	(tag) =	ssettag $0x2  }
0x12d: {  	s0 =	rddreg [dreg:$0x0];
	s2 =	stileid.u32  }
0x12e: {  	s1 =	rddreg [dreg:$0x1];
	p0 =	sne.s32 s2, $0x0  }
0x12f: {  	s3 =	rddreg [dreg:$0x2];
	[bflag:$0x3] =	sbarrier.arrive $0xFFFF;
	s2 =	simm.s32 @!p0 $0x1C05  }
0x130: {  	[timem:s3], [sflag:s2] =	dma.local @!p0 [hbm:s0], s1  }
0x131: {  	s0 =	simm.s32 @!p0 $0x5  }
0x132: {  	_ =	swait.ge @!p0 [sflag:s0], s1  }
0x133: {  	s1 =	ssub.s32 @!p0 $0x0, s1;
	[sflag:s0] =	ssyncset.done @!p0 $0x0  }
0x134: {  	[sflag:s0] =	ssyncadd.s32 @!p0 s1  }
0x135: {  	[bflag:$0x3] =	sbarrier.arrive $0xFFFF  }
0x136: {  	_ =	shalt  }

// kernel: kernel.8.cloned.1.call-start
scs
__scs_entry_jumppad:
0x0: {  	(pc) =	sbr.rel $0x88, $3  }
0x1: {  	(tag) =	ssettag $0x0;
	lr =	simm.s32 $0x1  }
0x2: {  	[smem:$0x3F99] =	sst lr;
	_ =	strace $0xD0000000  }
0x3: {  	_ = 	snop  }
0x4: {  	_ = 	snop  }
0x5: {  	_ = 	snop  }
0x6: {  	_ = 	snop  }
0x7: {  	_ = 	snop  }
__scs_overlays_trampoline_lowered:
0x8: {  	[smem:$0x3FA8] =	sst s0  }
0x9: {  	[smem:$0x3FA9] =	sst s1  }
0xa: {  	[smem:$0x3FAA] =	sst s2  }
0xb: {  	[smem:$0x3FAB] =	sst s3  }
0xc: {  	[smem:$0x3FAC] =	sst s4  }
0xd: {  	[smem:$0x3FAD] =	sst s5  }
0xe: {  	[smem:$0x3FAE] =	sst s6  }
0xf: {  	[smem:$0x3FAF] =	sst s7  }
0x10: {  	[smem:$0x3FB0] =	sst s8  }
0x11: {  	[smem:$0x3FB1] =	sst s9;
	s0 =	simm.s32 @!p0 $0x0  }
0x12: {  	s1 =	sld [smem:$0x3F97];
	s0 =	simm.s32 @p0 $0x1  }
0x13: {  	[smem:$0x3FB2] =	sst s0;
	s0 =	simm.s32 @!p1 $0x0  }
0x14: {  	s2 =	sld [smem:$0x3F96];
	s0 =	simm.s32 @p1 $0x1  }
0x15: {  	[smem:$0x3FB3] =	sst s0;
	s0 =	simm.s32 @!p2 $0x0  }
0x16: {  	s3 =	sld [smem:$0x3FDB];
	s0 =	simm.s32 @p2 $0x1  }
0x17: {  	s4 =	simm.s32 $0x1BF5;
	[smem:$0x3FB5] =	sst s0  }
0x18: {  	s0 =	sld [smem:$0x3F98];
	_ =	swait.ge [sflag:s4], $0x0  }
0x19: {  	s7 =	sld [smem:$0x3F99]  }
0x1a: {  	s8 =	sadd.s32 $0xFFFFE003, lr  }
0x1b: {  	s9 =	sadd.s32 $0xFFFFFEF7, lr;
	s5 =	simm.s32 $0xFFFFFFFF;
	p2 =	slt.u32 s8, $0xFFFFF086  }
0x1c: {  	p1 =	slt.u32 s9, $0xF7A;
	s5 =	simm.s32 @!p2 $0x0  }
0x1d: {  	s5 =	simm.s32 @p1 $0x1;
	p0 =	seq.s32 s7, s2  }
0x1e: {  	s7 =	smul.u32 @!p0 $0xF7A, s2;
	p2 =	seq.s32 @!p0 s5, $0x0  }
0x1f: {  	s9 =	smul.u32 $0xF7A, s1;
	s8 =	simm.s32 @!p0 $0x1BF5;
	p2 =	por !p2, p0  }
0x20: {  	[sflag:s8] =	ssyncset.s32 @!p0 $0xFFFFF086;
	s6 =	sadd.s32 @!p0 s3, s7;
	s7 =	simm.s32 @!p0 $0x108  }
0x21: {  	s3 =	sadd.s32 s3, s9;
	s6 =	sadd.s32 @!p0 $0x88, s6;
	s7 =	simm.s32 @p2 $0x1082  }
0x22: {  	[simem:s7], [sflag:s8] =	dma.local @!p0 [hbm:s6], $0xF7A  }
0x23: {  	s9 =	sor.u32 $0xD0000000, s2;
	s6 =	simm.s32 $0x108;
	_ =	swait.ge @!p0 [sflag:s8], $0x0  }
0x24: {  	s3 =	sadd.s32 $0x88, s3;
	s6 =	simm.s32 @!p1 $0x1082;
	[sflag:s4] =	ssyncset.s32 $0xFFFFF086  }
0x25: {  	[simem:s6], [sflag:s4] =	dma.local [hbm:s3], $0xF7A  }
0x26: {  	[smem:$0x3F99] =	sst s1;
	(tag) =	ssettag s2;
	_ =	strace s9  }
0x27: {  	s1 =	sld [smem:$0x3FA9]  }
0x28: {  	s2 =	sld [smem:$0x3FAA]  }
0x29: {  	s4 =	sld [smem:$0x3FAC]  }
0x2a: {  	p0 =	seq.s32 s5, $0x0;
	s5 =	sld [smem:$0x3FAD]  }
0x2b: {  	s6 =	sld [smem:$0x3FAE]  }
0x2c: {  	s7 =	sld [smem:$0x3FAF]  }
0x2d: {  	s3 =	simm.s32 $0x108;
	s8 =	sld [smem:$0x3FB0]  }
0x2e: {  	s3 =	simm.s32 @!p0 $0x1082;
	s9 =	sld [smem:$0x3FB1]  }
0x2f: {  	lr =	sadd.s32 s0, s3;
	s0 =	sld [smem:$0x3FA8]  }
0x30: {  	s3 =	sld [smem:$0x3FAB]  }
0x31: {  	[smem:$0x3FB4] =	sst s10  }
0x32: {  	s10 =	sld [smem:$0x3FB2];
	_ =	sdelay $0x3  }
0x33: {  	p0 =	seq.s32 s10, $0x1;
	s10 =	sld [smem:$0x3FB4];
	_ =	sdelay $0x3  }
0x34: {  	[smem:$0x3FB4] =	sst s10  }
0x35: {  	s10 =	sld [smem:$0x3FB3];
	_ =	sdelay $0x3  }
0x36: {  	p1 =	seq.s32 s10, $0x1;
	s10 =	sld [smem:$0x3FB4];
	_ =	sdelay $0x3  }
0x37: {  	[smem:$0x3FB4] =	sst s10  }
0x38: {  	s10 =	sld [smem:$0x3FB5]  }
0x39: {  	_ = 	snop;
	(pc) =	sbr.ind lr, $3  }
0x3a: {  	_ = 	snop  }
0x3b: {  	_ = 	snop  }
0x3c: {  	p2 =	seq.s32 s10, $0x1;
	s10 =	sld [smem:$0x3FB4]  }
0x3d: {  	_ =	shalt  }
0x3e: {  	_ =	shalt  }
0x3f: {  	_ =	shalt  }
0x40: {  	_ =	shalt  }
0x41: {  	_ =	shalt  }
0x42: {  	_ =	shalt  }
0x43: {  	_ =	shalt  }
0x44: {  	_ =	shalt  }
0x45: {  	_ =	shalt  }
0x46: {  	_ =	shalt  }
0x47: {  	_ =	shalt  }
0x48: {  	_ =	shalt  }
0x49: {  	_ =	shalt  }
0x4a: {  	_ =	shalt  }
0x4b: {  	_ =	shalt  }
0x4c: {  	_ =	shalt  }
0x4d: {  	_ =	shalt  }
0x4e: {  	_ =	shalt  }
0x4f: {  	_ =	shalt  }
0x50: {  	_ =	shalt  }
0x51: {  	_ =	shalt  }
0x52: {  	_ =	shalt  }
0x53: {  	_ =	shalt  }
0x54: {  	_ =	shalt  }
0x55: {  	_ =	shalt  }
0x56: {  	_ =	shalt  }
0x57: {  	_ =	shalt  }
0x58: {  	_ =	shalt  }
0x59: {  	_ =	shalt  }
0x5a: {  	_ =	shalt  }
0x5b: {  	_ =	shalt  }
0x5c: {  	_ =	shalt  }
0x5d: {  	_ =	shalt  }
0x5e: {  	_ =	shalt  }
0x5f: {  	_ =	shalt  }
0x60: {  	_ =	shalt  }
0x61: {  	_ =	shalt  }
0x62: {  	_ =	shalt  }
0x63: {  	_ =	shalt  }
0x64: {  	_ =	shalt  }
0x65: {  	_ =	shalt  }
0x66: {  	_ =	shalt  }
0x67: {  	_ =	shalt  }
0x68: {  	_ =	shalt  }
0x69: {  	_ =	shalt  }
0x6a: {  	_ =	shalt  }
0x6b: {  	_ =	shalt  }
0x6c: {  	_ =	shalt  }
0x6d: {  	_ =	shalt  }
0x6e: {  	_ =	shalt  }
0x6f: {  	_ =	shalt  }
0x70: {  	_ =	shalt  }
0x71: {  	_ =	shalt  }
0x72: {  	_ =	shalt  }
0x73: {  	_ =	shalt  }
0x74: {  	_ =	shalt  }
0x75: {  	_ =	shalt  }
0x76: {  	_ =	shalt  }
0x77: {  	_ =	shalt  }
0x78: {  	_ =	shalt  }
0x79: {  	_ =	shalt  }
0x7a: {  	_ =	shalt  }
0x7b: {  	_ =	shalt  }
0x7c: {  	_ =	shalt  }
0x7d: {  	_ =	shalt  }
0x7e: {  	_ =	shalt  }
0x7f: {  	_ =	shalt  }
0x80: {  	_ =	shalt  }
0x81: {  	_ =	shalt  }
0x82: {  	_ =	shalt  }
0x83: {  	_ =	shalt  }
0x84: {  	_ =	shalt  }
0x85: {  	_ =	shalt  }
0x86: {  	_ =	shalt  }
0x87: {  	_ =	shalt  }
.Lfunc_end0:
.L_simem_size_0:
called_computation_lowered:
.L_overlay_start_0:
0x88: {  	s2 =	sld [smem:$0x3FD9]  }
0x89: {  	s3 =	sld [smem:$0x3FFE];
	_ =	sdelay $0x1  }
0x8a: {  	s1 =	srdreg.scid  }
0x8b: {  	s0 =	sand.u32 $0x1, s1  }
0x8c: {  	s17 =	sshll.u32 s0, $0xA;
	s2 =	sadd.s32 s3, s2  }
0x8d: {  	s2 =	sadd.s32 s2, s17  }
0x8e: {  	[smem:$0x3FC0] =	sst s2  }
0x8f: {  	_ = 	snop  }
0x90: {  	s2 =	sld [smem:$0x3FD0];
	(tm) =	ssettm $0x1  }
0x91: {  	s18 =	sld [smem:$0x3FFB];
	_ =	sdelay $0x3  }
0x92: {  	_ =	strace s18  }
0x93: {  	s3 =	sld [smem:$0x3FFC];
	_ =	sdelay $0x3  }
0x94: {  	_ =	strace s3  }
0x95: {  	s3 =	sld [smem:$0x3FFD];
	_ =	sdelay $0x3  }
0x96: {  	_ =	strace s3  }
0x97: {  	_ =	strace $0x8FFFFFFF  }
0x98: {  	s19 =	sld [smem:$0x3FDB];
	_ =	sdelay $0x1  }
0x99: {  	s4 =	simm.s32 $_scs_section_size  }
0x9a: {  	s5 =	simm.s32 $_size__tile_overlayer_lowered;
	s6 =	simm.s32 $_tile_overlayer_lowered  }
0x9b: {  	s22 =	simm.s32 $0x1BFF;
	s21 =	sshll.u32 s6, $0x1;
	s3 =	sadd.s32 s4, s19  }
0x9c: {  	s7 =	simm.s32 $0x0;
	s20 =	sshll.u32 s5, $0x1;
	s5 =	sadd.s32 s21, s3  }
0x9d: {  	[timem:s7], [sflag:s22] =	dma.local [hbm:s5], s20  }
0x9e: {  	_ =	swait.ge [sflag:s22], s20  }
0x9f: {  	s4 =	ssub.s32 $0x0, s20;
	[sflag:s22] =	ssyncset.done $0x0  }
0xa0: {  	[sflag:s22] =	ssyncadd.s32 s4;
	_ =	sdelay $0x1  }
0xa1: {  	s23 =	simm.s32 $0x1B8B  }
0xa2: {  	_ =	swait.ge [sflag:s23], $0x1  }
0xa3: {  	[sflag:s23] =	ssyncset.done $0x0  }
0xa4: {  	s25 =	simm.s32 $0x1B8E;
	s24 =	sld [smem:$0x3FFE];
	[sflag:s23] =	ssyncadd.s32 $0xFFFFFFFF  }
0xa5: {  	s26 =	simm.s32 $execute0_lowered;
	[smem:$0x3FD2] =	sst s25  }
0xa6: {  	s5 =	sshll.u32 s26, $0x1;
	_ =	strace $0x80000046;
	[dreg:$0x1] =	wrdreg $0xFFFFFFFF  }
0xa7: {  	s28 =	simm.s32 $_size_execute0_lowered;
	s3 =	sadd.s32 s3, s5;
	[dreg:$0x0] =	wrdreg $0x0  }
0xa8: {  	s5 =	sshll.u32 s28, $0x1;
	[dreg:$0x2] =	wrdreg s3  }
0xa9: {  	[dreg:$0x3] =	wrdreg s5  }
0xaa: {  	[dreg:$0x4] =	wrdreg $0xC0  }
0xab: {  	_ =	task [dreg:s7], $0x5FFFF  }
0xac: {  	[dreg:$0x1] =	wrdreg $0xFFFFFFFF  }
0xad: {  	[dreg:$0x0] =	wrdreg $0x60  }
0xae: {  	[dreg:$0x2] =	wrdreg s2  }
0xaf: {  	[dreg:$0x3] =	wrdreg s24  }
0xb0: {  	[dreg:$0x4] =	wrdreg $0x9  }
0xb1: {  	_ =	task.clear_ibuf [dreg:s7], $0x5FFFF;
	_ =	strace $0x90000046  }
0xb2: {  	s29 =	simm.s32 $0x9;
	_ =	strace $0x80000048  }
0xb3: {  	_ =	swait.ge [sflag:s29], $0x1  }
0xb4: {  	[sflag:s29] =	ssyncadd.s32 $0xFFFFFFFF  }
0xb5: {  	_ =	strace $0x90000048  }
0xb6: {  	_ =	sfence  }
0xb7: {  	s30 =	sld [smem:$0x0];
	_ =	sdelay $0x2  }
0xb8: {  	s31 =	sshll.u32 s1, $0xD;
	s1 =	sshrl.u32 s1, $0x2  }
0xb9: {  	s3 =	sand.u32 $0x4000, s31;
	s1 =	sadd.s32 s1, s30  }
0xba: {  	s0 =	sor.u32 s3, s0;
	s1 =	sshll.u32 s1, $0x11  }
0xbb: {  	s0 =	sor.u32 s1, s0  }
0xbc: {  	s0 =	sadd.s32 $0x8F2B, s0  }
0xbd: {  	[sflag:s0] =	ssyncadd.remote.s32 $0x1  }
0xbe: {  	_ =	sfence.sel $0xFFFF  }
0xbf: {  	[dreg:$0x0] =	wrdreg $0xFFFFFFFF;
	(pc) =	sbr.abs _section_cstart, $3  }
0xc0: {  	[dreg:$0x1] =	wrdreg $0xFFFFFFFF  }
0xc1: {  	_ =	task.clear_ibuf [dreg:s7], $0x2FFFF;
	_ =	strace $0x9FFFFFFF  }
0xc2: {  	(tm) =	ssettm $0x7FFFFFFF  }
0xc3: {  	_ =	shalt  }
tec
execute0_lowered:
.L_overlay_start_1:
0x0: {  	(tag) =	ssettag $0x1  }
0x1: {  	s0 =	rddreg [dreg:$0x0];
	s1 =	srdreg.scid  }
0x2: {  	s2 =	stileid.u32;
	s4 =	rddreg [dreg:$0x1];
	s28 =	simm.s32 $0x100  }
0x3: {  	s8 =	simm.s32 $0x200;
	s9 =	simm.s32 $0x8200;
	s10 =	simm.s32 $0x1  }
0x4: {  	s16 =	simm.s32 $0xEA00;
	s17 =	simm.s32 $0xF200;
	s18 =	simm.s32 $0xFA00  }
0x5: {  	s19 =	simm.s32 $0x3;
	s20 =	simm.s32 $0x5;
	s21 =	simm.s32 $0x4  }
0x6: {  	s22 =	simm.s32 $0x6;
	s29 =	simm.s32 $0x2A00;
	s30 =	simm.s32 $0x3200  }
0x7: {  	s1 =	sand.u32 $0x1, s1;
	s3 =	sshll.u32 s2, $0x1;
	s2 =	simm.s32 $0x0  }
0x8: {  	s31 =	simm.s32 $0x3A00;
	s5 =	sor.u32 s1, s3;
	[smem:$0x7FF] =	sst s2  }
0x9: {  	s3 =	sshll.u32 s5, $0x5;
	_ =	strace $0x80000047;
	s5 =	sshll.u32 s5, $0xD  }
0xa: {  	[dreg:$0x6] =	wrdreg s28;
	s6 =	sadd.s32 s3, s4;
	s5 =	sadd.s32 s0, s5  }
0xb: {  	s1 =	ssub.s32 $0x2, s1;
	s7 =	sadd.s32 $0x1A00, s6;
	[dreg:$0x7] =	wrdreg s5  }
0xc: {  	s26 =	sshrl.u32 s1, $0x1;
	s6 =	sadd.s32 $0x1E00, s6;
	[dreg:$0x3] =	wrdreg s7  }
0xd: {  	v2 =	vlaneseq.u32;
	s3 =	sadd.s32 $0x2200, s4;
	s5 =	sadd.s32 $0x1000, s5;
	[dreg:$0x4] =	wrdreg s6  }
0xe: {  	vm0 =	vmmov $0xffff;
	v1 =	vshrl.u32 v2, $0x3;
	s0 =	ssub.s32 s1, s26;
	s26 =	simm.s32 $0x2;
	[dreg:$0x5] =	wrdreg s5  }
0xf: {  	v0 =	vand.u32 $0x7, v2;
	v2 =	vor.u32 $0x8, v2;
	v1 =	vmul.u32 $0x8, v1;
	s5 =	sadd.s32 $0x2300, s4;
	s6 =	smax.u32 s0, $0x1;
	s7 =	simm.s32 $0x7  }
.LBB2_1:
0x10: {  	s23 =	rddreg [dreg:$0x3]  }
0x11: {  	[tilespmem:s2], [sflag:$0x7] =	stream.linear.gather [hbm4b:s23+s2], $0x100, $0x38;
	[tilespmem:$0x10200] =	vst v63  }
0x12: {  	_ =	swait.ge [sflag:s7], $0x100  }
0x13: {  	s15 =	rddreg [dreg:$0x4];
	[sflag:s7] =	ssyncset.done $0x0  }
0x14: {  	s24 =	rddreg [dreg:$0x6];
	[sflag:s7] =	ssyncadd.s32 $0xFFFFFF00  }
0x15: {  	[tilespmem:s24], [sflag:$0x7] =	stream.linear.gather [hbm4b:s15+s2], $0x100, $0x38;
	[tilespmem:$0x10200] =	vst v63  }
0x16: {  	_ =	swait.ge [sflag:s7], $0x100  }
0x17: {  	[sflag:s7] =	ssyncset.done $0x0  }
0x18: {  	s28 =	rddreg [dreg:$0x7];
	[sflag:s7] =	ssyncadd.s32 $0xFFFFFF00  }
0x19: {  	[tilespmem:s8], [sflag:$0x1] =	stream.linear.gather [hbm4b:s28+s2], $0x8000, $0x38;
	[tilespmem:$0x10200] =	vst v63  }
0x1a: {  	s25 =	rddreg [dreg:$0x5]  }
0x1b: {  	[tilespmem:s9], [sflag:$0x2] =	stream.linear.gather [hbm4b:s25+s2], $0x8000, $0x38;
	[tilespmem:$0x10200] =	vst v63  }
0x1c: {  	_ =	swait.ge [sflag:s10], $0x8000  }
0x1d: {  	[sflag:s10] =	ssyncset.done $0x0  }
0x1e: {  	[sflag:s10] =	ssyncadd.s32 $0xFFFF8000  }
0x1f: {  	v3 =	vld [tilespmem:$0x0];
	_ =	sdelay $0x4  }
0x20: {  	v4 =	vshll.u32 v3, $0x2  }
0x21: {  	v3 =	vand.u32 $0x7, v3;
	v4 =	vand.u32 $0xFFFFFFE0, v4  }
0x22: {  	v3 =	vor.u32 v3, v4  }
0x23: {  	v4 =	vperm.xlane v3, v0;
	_ =	sdelay $0x1  }
0x24: {  	v4 =	vadd.s32 v1, v4;
	_ =	sdelay $0x1  }
0x25: {  	v3 =	vperm.xlane v3, v2;
	_ =	sdelay $0x1  }
0x26: {  	v3 =	vadd.s32 v1, v3  }
0x27: {  	[hbm4b:s3+s2] =	stream.indirect_vreg.scatter [tilespmem:s8], [sflag:$0x3], $0x80, v4, vm0, $0xb8;
	[tilespmem:$0x10200] =	vst v63  }
0x28: {  	s23 =	simm.s32 $0xA00  }
0x29: {  	[hbm4b:s5+s2] =	stream.indirect_vreg.scatter [tilespmem:s23], [sflag:$0x3], $0x80, v4, vm0, $0xb8;
	[tilespmem:$0x10200] =	vst v63  }
0x2a: {  	s24 =	simm.s32 $0x1200  }
0x2b: {  	[hbm4b:s3+s2] =	stream.indirect_vreg.scatter [tilespmem:s24], [sflag:$0x3], $0x80, v3, vm0, $0xb8;
	[tilespmem:$0x10200] =	vst v63  }
0x2c: {  	s25 =	simm.s32 $0x1A00  }
0x2d: {  	[hbm4b:s5+s2] =	stream.indirect_vreg.scatter [tilespmem:s25], [sflag:$0x3], $0x80, v3, vm0, $0xb8;
	[tilespmem:$0x10200] =	vst v63  }
0x2e: {  	v3 =	vld [tilespmem:$0x10];
	_ =	sdelay $0x4  }
0x2f: {  	v49 =	vshll.u32 v3, $0x2  }
0x30: {  	v3 =	vand.u32 $0x7, v3;
	v4 =	vand.u32 $0xFFFFFFE0, v49  }
0x31: {  	v3 =	vor.u32 v3, v4  }
0x32: {  	v4 =	vperm.xlane v3, v0;
	_ =	sdelay $0x1  }
0x33: {  	v4 =	vadd.s32 v1, v4;
	_ =	sdelay $0x1  }
0x34: {  	v3 =	vperm.xlane v3, v2;
	_ =	sdelay $0x1  }
0x35: {  	s28 =	simm.s32 $0x2200;
	v3 =	vadd.s32 v1, v3  }
0x36: {  	[hbm4b:s3+s2] =	stream.indirect_vreg.scatter [tilespmem:s28], [sflag:$0x3], $0x80, v4, vm0, $0xb8;
	[tilespmem:$0x10200] =	vst v63  }
0x37: {  	_ = 	snop  }
0x38: {  	[hbm4b:s5+s2] =	stream.indirect_vreg.scatter [tilespmem:s29], [sflag:$0x3], $0x80, v4, vm0, $0xb8;
	[tilespmem:$0x10200] =	vst v63  }
0x39: {  	_ = 	snop  }
0x3a: {  	[hbm4b:s3+s2] =	stream.indirect_vreg.scatter [tilespmem:s30], [sflag:$0x3], $0x80, v3, vm0, $0xb8;
	[tilespmem:$0x10200] =	vst v63  }
0x3b: {  	_ = 	snop  }
0x3c: {  	[hbm4b:s5+s2] =	stream.indirect_vreg.scatter [tilespmem:s31], [sflag:$0x3], $0x80, v3, vm0, $0xb8;
	[tilespmem:$0x10200] =	vst v63  }
0x3d: {  	v3 =	vld [tilespmem:$0x20];
	_ =	sdelay $0x4  }
0x3e: {  	v50 =	vshll.u32 v3, $0x2  }
0x3f: {  	v3 =	vand.u32 $0x7, v3;
	v4 =	vand.u32 $0xFFFFFFE0, v50  }
0x40: {  	v3 =	vor.u32 v3, v4  }
0x41: {  	v4 =	vperm.xlane v3, v0;
	_ =	sdelay $0x1  }
0x42: {  	v4 =	vadd.s32 v1, v4;
	_ =	sdelay $0x1  }
0x43: {  	v3 =	vperm.xlane v3, v2;
	_ =	sdelay $0x1  }
0x44: {  	s1 =	simm.s32 $0x4200;
	v3 =	vadd.s32 v1, v3  }
0x45: {  	[hbm4b:s3+s2] =	stream.indirect_vreg.scatter [tilespmem:s1], [sflag:$0x3], $0x80, v4, vm0, $0xb8;
	[tilespmem:$0x10200] =	vst v63  }
0x46: {  	s0 =	simm.s32 $0x4A00  }
0x47: {  	[hbm4b:s5+s2] =	stream.indirect_vreg.scatter [tilespmem:s0], [sflag:$0x3], $0x80, v4, vm0, $0xb8;
	[tilespmem:$0x10200] =	vst v63  }
0x48: {  	s11 =	simm.s32 $0x5200  }
0x49: {  	[hbm4b:s3+s2] =	stream.indirect_vreg.scatter [tilespmem:s11], [sflag:$0x3], $0x80, v3, vm0, $0xb8;
	[tilespmem:$0x10200] =	vst v63  }
0x4a: {  	s4 =	simm.s32 $0x5A00  }
0x4b: {  	[hbm4b:s5+s2] =	stream.indirect_vreg.scatter [tilespmem:s4], [sflag:$0x3], $0x80, v3, vm0, $0xb8;
	[tilespmem:$0x10200] =	vst v63  }
0x4c: {  	v3 =	vld [tilespmem:$0x30];
	_ =	sdelay $0x4  }
0x4d: {  	v51 =	vshll.u32 v3, $0x2  }
0x4e: {  	v3 =	vand.u32 $0x7, v3;
	v4 =	vand.u32 $0xFFFFFFE0, v51  }
0x4f: {  	v3 =	vor.u32 v3, v4  }
0x50: {  	v4 =	vperm.xlane v3, v0;
	_ =	sdelay $0x1  }
0x51: {  	v4 =	vadd.s32 v1, v4;
	_ =	sdelay $0x1  }
0x52: {  	v3 =	vperm.xlane v3, v2;
	_ =	sdelay $0x1  }
0x53: {  	s12 =	simm.s32 $0x6200;
	v3 =	vadd.s32 v1, v3  }
0x54: {  	[hbm4b:s3+s2] =	stream.indirect_vreg.scatter [tilespmem:s12], [sflag:$0x3], $0x80, v4, vm0, $0xb8;
	[tilespmem:$0x10200] =	vst v63  }
0x55: {  	s13 =	simm.s32 $0x6A00  }
0x56: {  	[hbm4b:s5+s2] =	stream.indirect_vreg.scatter [tilespmem:s13], [sflag:$0x3], $0x80, v4, vm0, $0xb8;
	[tilespmem:$0x10200] =	vst v63  }
0x57: {  	s14 =	simm.s32 $0x7200  }
0x58: {  	[hbm4b:s3+s2] =	stream.indirect_vreg.scatter [tilespmem:s14], [sflag:$0x3], $0x80, v3, vm0, $0xb8;
	[tilespmem:$0x10200] =	vst v63  }
0x59: {  	s15 =	simm.s32 $0x7A00  }
0x5a: {  	[hbm4b:s5+s2] =	stream.indirect_vreg.scatter [tilespmem:s15], [sflag:$0x3], $0x80, v3, vm0, $0xb8;
	[tilespmem:$0x10200] =	vst v63  }
0x5b: {  	v3 =	vld [tilespmem:$0x100];
	_ =	sdelay $0x4  }
0x5c: {  	v52 =	vshll.u32 v3, $0x2  }
0x5d: {  	v3 =	vand.u32 $0x7, v3;
	v4 =	vand.u32 $0xFFFFFFE0, v52  }
0x5e: {  	v3 =	vor.u32 v3, v4  }
0x5f: {  	v4 =	vperm.xlane v3, v0;
	_ =	sdelay $0x1  }
0x60: {  	v4 =	vadd.s32 v1, v4;
	_ =	sdelay $0x1  }
0x61: {  	v3 =	vperm.xlane v3, v2;
	_ =	sdelay $0x1  }
0x62: {  	v3 =	vadd.s32 v1, v3  }
0x63: {  	[hbm4b:s3+s2] =	stream.indirect_vreg.scatter [tilespmem:s8], [sflag:$0x5], $0x80, v4, vm0, $0xb8;
	[tilespmem:$0x10200] =	vst v63  }
0x64: {  	_ = 	snop  }
0x65: {  	[hbm4b:s5+s2] =	stream.indirect_vreg.scatter [tilespmem:s23], [sflag:$0x5], $0x80, v4, vm0, $0xb8;
	[tilespmem:$0x10200] =	vst v63  }
0x66: {  	_ = 	snop  }
0x67: {  	[hbm4b:s3+s2] =	stream.indirect_vreg.scatter [tilespmem:s24], [sflag:$0x5], $0x80, v3, vm0, $0xb8;
	[tilespmem:$0x10200] =	vst v63  }
0x68: {  	_ = 	snop  }
0x69: {  	[hbm4b:s5+s2] =	stream.indirect_vreg.scatter [tilespmem:s25], [sflag:$0x5], $0x80, v3, vm0, $0xb8;
	[tilespmem:$0x10200] =	vst v63  }
0x6a: {  	v3 =	vld [tilespmem:$0x110];
	_ =	sdelay $0x4  }
0x6b: {  	v53 =	vshll.u32 v3, $0x2  }
0x6c: {  	v3 =	vand.u32 $0x7, v3;
	v4 =	vand.u32 $0xFFFFFFE0, v53  }
0x6d: {  	v3 =	vor.u32 v3, v4  }
0x6e: {  	v4 =	vperm.xlane v3, v0;
	_ =	sdelay $0x1  }
0x6f: {  	v4 =	vadd.s32 v1, v4;
	_ =	sdelay $0x1  }
0x70: {  	v3 =	vperm.xlane v3, v2;
	_ =	sdelay $0x1  }
0x71: {  	v3 =	vadd.s32 v1, v3  }
0x72: {  	[hbm4b:s3+s2] =	stream.indirect_vreg.scatter [tilespmem:s28], [sflag:$0x5], $0x80, v4, vm0, $0xb8;
	[tilespmem:$0x10200] =	vst v63  }
0x73: {  	_ = 	snop  }
0x74: {  	[hbm4b:s5+s2] =	stream.indirect_vreg.scatter [tilespmem:s29], [sflag:$0x5], $0x80, v4, vm0, $0xb8;
	[tilespmem:$0x10200] =	vst v63  }
0x75: {  	_ = 	snop  }
0x76: {  	[hbm4b:s3+s2] =	stream.indirect_vreg.scatter [tilespmem:s30], [sflag:$0x5], $0x80, v3, vm0, $0xb8;
	[tilespmem:$0x10200] =	vst v63  }
0x77: {  	_ = 	snop  }
0x78: {  	[hbm4b:s5+s2] =	stream.indirect_vreg.scatter [tilespmem:s31], [sflag:$0x5], $0x80, v3, vm0, $0xb8;
	[tilespmem:$0x10200] =	vst v63  }
0x79: {  	v3 =	vld [tilespmem:$0x120];
	_ =	sdelay $0x4  }
0x7a: {  	v54 =	vshll.u32 v3, $0x2  }
0x7b: {  	v3 =	vand.u32 $0x7, v3;
	v4 =	vand.u32 $0xFFFFFFE0, v54  }
0x7c: {  	v3 =	vor.u32 v3, v4  }
0x7d: {  	v4 =	vperm.xlane v3, v0;
	_ =	sdelay $0x1  }
0x7e: {  	v4 =	vadd.s32 v1, v4;
	_ =	sdelay $0x1  }
0x7f: {  	v3 =	vperm.xlane v3, v2;
	_ =	sdelay $0x1  }
0x80: {  	v3 =	vadd.s32 v1, v3  }
0x81: {  	[hbm4b:s3+s2] =	stream.indirect_vreg.scatter [tilespmem:s1], [sflag:$0x5], $0x80, v4, vm0, $0xb8;
	[tilespmem:$0x10200] =	vst v63  }
0x82: {  	_ = 	snop  }
0x83: {  	[hbm4b:s5+s2] =	stream.indirect_vreg.scatter [tilespmem:s0], [sflag:$0x5], $0x80, v4, vm0, $0xb8;
	[tilespmem:$0x10200] =	vst v63  }
0x84: {  	_ = 	snop  }
0x85: {  	[hbm4b:s3+s2] =	stream.indirect_vreg.scatter [tilespmem:s11], [sflag:$0x5], $0x80, v3, vm0, $0xb8;
	[tilespmem:$0x10200] =	vst v63  }
0x86: {  	_ = 	snop  }
0x87: {  	[hbm4b:s5+s2] =	stream.indirect_vreg.scatter [tilespmem:s4], [sflag:$0x5], $0x80, v3, vm0, $0xb8;
	[tilespmem:$0x10200] =	vst v63  }
0x88: {  	v3 =	vld [tilespmem:$0x130];
	_ =	sdelay $0x4  }
0x89: {  	v55 =	vshll.u32 v3, $0x2  }
0x8a: {  	v3 =	vand.u32 $0x7, v3;
	v4 =	vand.u32 $0xFFFFFFE0, v55  }
0x8b: {  	v3 =	vor.u32 v3, v4  }
0x8c: {  	v4 =	vperm.xlane v3, v0;
	_ =	sdelay $0x1  }
0x8d: {  	v4 =	vadd.s32 v1, v4;
	_ =	sdelay $0x1  }
0x8e: {  	v3 =	vperm.xlane v3, v2;
	_ =	sdelay $0x1  }
0x8f: {  	v3 =	vadd.s32 v1, v3  }
0x90: {  	[hbm4b:s3+s2] =	stream.indirect_vreg.scatter [tilespmem:s12], [sflag:$0x5], $0x80, v4, vm0, $0xb8;
	[tilespmem:$0x10200] =	vst v63  }
0x91: {  	_ = 	snop  }
0x92: {  	[hbm4b:s5+s2] =	stream.indirect_vreg.scatter [tilespmem:s13], [sflag:$0x5], $0x80, v4, vm0, $0xb8;
	[tilespmem:$0x10200] =	vst v63  }
0x93: {  	_ = 	snop  }
0x94: {  	[hbm4b:s3+s2] =	stream.indirect_vreg.scatter [tilespmem:s14], [sflag:$0x5], $0x80, v3, vm0, $0xb8;
	[tilespmem:$0x10200] =	vst v63  }
0x95: {  	_ = 	snop  }
0x96: {  	[hbm4b:s5+s2] =	stream.indirect_vreg.scatter [tilespmem:s15], [sflag:$0x5], $0x80, v3, vm0, $0xb8;
	[tilespmem:$0x10200] =	vst v63  }
0x97: {  	_ =	swait.ge [sflag:s26], $0x8000  }
0x98: {  	[sflag:s26] =	ssyncset.done $0x0  }
0x99: {  	[sflag:s26] =	ssyncadd.s32 $0xFFFF8000  }
0x9a: {  	v3 =	vld [tilespmem:$0x80];
	_ =	sdelay $0x4  }
0x9b: {  	v56 =	vshll.u32 v3, $0x2  }
0x9c: {  	v3 =	vand.u32 $0x7, v3;
	v4 =	vand.u32 $0xFFFFFFE0, v56  }
0x9d: {  	v3 =	vor.u32 v3, v4  }
0x9e: {  	v4 =	vperm.xlane v3, v0;
	_ =	sdelay $0x1  }
0x9f: {  	v4 =	vadd.s32 v1, v4;
	_ =	sdelay $0x1  }
0xa0: {  	v3 =	vperm.xlane v3, v2;
	_ =	sdelay $0x1  }
0xa1: {  	v3 =	vadd.s32 v1, v3  }
0xa2: {  	[hbm4b:s3+s2] =	stream.indirect_vreg.scatter [tilespmem:s9], [sflag:$0x4], $0x80, v4, vm0, $0xb8;
	[tilespmem:$0x10200] =	vst v63  }
0xa3: {  	s0 =	simm.s32 $0x8A00  }
0xa4: {  	[hbm4b:s5+s2] =	stream.indirect_vreg.scatter [tilespmem:s0], [sflag:$0x4], $0x80, v4, vm0, $0xb8;
	[tilespmem:$0x10200] =	vst v63  }
0xa5: {  	s1 =	simm.s32 $0x9200  }
0xa6: {  	[hbm4b:s3+s2] =	stream.indirect_vreg.scatter [tilespmem:s1], [sflag:$0x4], $0x80, v3, vm0, $0xb8;
	[tilespmem:$0x10200] =	vst v63  }
0xa7: {  	s4 =	simm.s32 $0x9A00  }
0xa8: {  	[hbm4b:s5+s2] =	stream.indirect_vreg.scatter [tilespmem:s4], [sflag:$0x4], $0x80, v3, vm0, $0xb8;
	[tilespmem:$0x10200] =	vst v63  }
0xa9: {  	v3 =	vld [tilespmem:$0x90];
	_ =	sdelay $0x4  }
0xaa: {  	v57 =	vshll.u32 v3, $0x2  }
0xab: {  	v3 =	vand.u32 $0x7, v3;
	v4 =	vand.u32 $0xFFFFFFE0, v57  }
0xac: {  	v3 =	vor.u32 v3, v4  }
0xad: {  	v4 =	vperm.xlane v3, v0;
	_ =	sdelay $0x1  }
0xae: {  	v4 =	vadd.s32 v1, v4;
	_ =	sdelay $0x1  }
0xaf: {  	v3 =	vperm.xlane v3, v2;
	_ =	sdelay $0x1  }
0xb0: {  	s11 =	simm.s32 $0xA200;
	v3 =	vadd.s32 v1, v3  }
0xb1: {  	[hbm4b:s3+s2] =	stream.indirect_vreg.scatter [tilespmem:s11], [sflag:$0x4], $0x80, v4, vm0, $0xb8;
	[tilespmem:$0x10200] =	vst v63  }
0xb2: {  	s12 =	simm.s32 $0xAA00  }
0xb3: {  	[hbm4b:s5+s2] =	stream.indirect_vreg.scatter [tilespmem:s12], [sflag:$0x4], $0x80, v4, vm0, $0xb8;
	[tilespmem:$0x10200] =	vst v63  }
0xb4: {  	s13 =	simm.s32 $0xB200  }
0xb5: {  	[hbm4b:s3+s2] =	stream.indirect_vreg.scatter [tilespmem:s13], [sflag:$0x4], $0x80, v3, vm0, $0xb8;
	[tilespmem:$0x10200] =	vst v63  }
0xb6: {  	s14 =	simm.s32 $0xBA00  }
0xb7: {  	[hbm4b:s5+s2] =	stream.indirect_vreg.scatter [tilespmem:s14], [sflag:$0x4], $0x80, v3, vm0, $0xb8;
	[tilespmem:$0x10200] =	vst v63  }
0xb8: {  	v3 =	vld [tilespmem:$0xA0];
	_ =	sdelay $0x4  }
0xb9: {  	v58 =	vshll.u32 v3, $0x2  }
0xba: {  	v3 =	vand.u32 $0x7, v3;
	v4 =	vand.u32 $0xFFFFFFE0, v58  }
0xbb: {  	v3 =	vor.u32 v3, v4  }
0xbc: {  	v4 =	vperm.xlane v3, v0;
	_ =	sdelay $0x1  }
0xbd: {  	v4 =	vadd.s32 v1, v4;
	_ =	sdelay $0x1  }
0xbe: {  	v3 =	vperm.xlane v3, v2;
	_ =	sdelay $0x1  }
0xbf: {  	s15 =	simm.s32 $0xC200;
	v3 =	vadd.s32 v1, v3  }
0xc0: {  	[hbm4b:s3+s2] =	stream.indirect_vreg.scatter [tilespmem:s15], [sflag:$0x4], $0x80, v4, vm0, $0xb8;
	[tilespmem:$0x10200] =	vst v63  }
0xc1: {  	s23 =	simm.s32 $0xCA00  }
0xc2: {  	[hbm4b:s5+s2] =	stream.indirect_vreg.scatter [tilespmem:s23], [sflag:$0x4], $0x80, v4, vm0, $0xb8;
	[tilespmem:$0x10200] =	vst v63  }
0xc3: {  	s24 =	simm.s32 $0xD200  }
0xc4: {  	[hbm4b:s3+s2] =	stream.indirect_vreg.scatter [tilespmem:s24], [sflag:$0x4], $0x80, v3, vm0, $0xb8;
	[tilespmem:$0x10200] =	vst v63  }
0xc5: {  	s25 =	simm.s32 $0xDA00  }
0xc6: {  	[hbm4b:s5+s2] =	stream.indirect_vreg.scatter [tilespmem:s25], [sflag:$0x4], $0x80, v3, vm0, $0xb8;
	[tilespmem:$0x10200] =	vst v63  }
0xc7: {  	v3 =	vld [tilespmem:$0xB0];
	_ =	sdelay $0x4  }
0xc8: {  	v59 =	vshll.u32 v3, $0x2  }
0xc9: {  	v3 =	vand.u32 $0x7, v3;
	v4 =	vand.u32 $0xFFFFFFE0, v59  }
0xca: {  	v3 =	vor.u32 v3, v4  }
0xcb: {  	v4 =	vperm.xlane v3, v0;
	_ =	sdelay $0x1  }
0xcc: {  	v4 =	vadd.s32 v1, v4;
	_ =	sdelay $0x1  }
0xcd: {  	v3 =	vperm.xlane v3, v2;
	_ =	sdelay $0x1  }
0xce: {  	s28 =	simm.s32 $0xE200;
	v3 =	vadd.s32 v1, v3  }
0xcf: {  	[hbm4b:s3+s2] =	stream.indirect_vreg.scatter [tilespmem:s28], [sflag:$0x4], $0x80, v4, vm0, $0xb8;
	[tilespmem:$0x10200] =	vst v63  }
0xd0: {  	_ = 	snop  }
0xd1: {  	[hbm4b:s5+s2] =	stream.indirect_vreg.scatter [tilespmem:s16], [sflag:$0x4], $0x80, v4, vm0, $0xb8;
	[tilespmem:$0x10200] =	vst v63  }
0xd2: {  	_ = 	snop  }
0xd3: {  	[hbm4b:s3+s2] =	stream.indirect_vreg.scatter [tilespmem:s17], [sflag:$0x4], $0x80, v3, vm0, $0xb8;
	[tilespmem:$0x10200] =	vst v63  }
0xd4: {  	_ = 	snop  }
0xd5: {  	[hbm4b:s5+s2] =	stream.indirect_vreg.scatter [tilespmem:s18], [sflag:$0x4], $0x80, v3, vm0, $0xb8;
	[tilespmem:$0x10200] =	vst v63  }
0xd6: {  	v3 =	vld [tilespmem:$0x180];
	_ =	sdelay $0x4  }
0xd7: {  	v60 =	vshll.u32 v3, $0x2  }
0xd8: {  	v3 =	vand.u32 $0x7, v3;
	v4 =	vand.u32 $0xFFFFFFE0, v60  }
0xd9: {  	v3 =	vor.u32 v3, v4  }
0xda: {  	v4 =	vperm.xlane v3, v0;
	_ =	sdelay $0x1  }
0xdb: {  	v4 =	vadd.s32 v1, v4;
	_ =	sdelay $0x1  }
0xdc: {  	v3 =	vperm.xlane v3, v2;
	_ =	sdelay $0x1  }
0xdd: {  	v3 =	vadd.s32 v1, v3  }
0xde: {  	[hbm4b:s3+s2] =	stream.indirect_vreg.scatter [tilespmem:s9], [sflag:$0x6], $0x80, v4, vm0, $0xb8;
	[tilespmem:$0x10200] =	vst v63  }
0xdf: {  	_ = 	snop  }
0xe0: {  	[hbm4b:s5+s2] =	stream.indirect_vreg.scatter [tilespmem:s0], [sflag:$0x6], $0x80, v4, vm0, $0xb8;
	[tilespmem:$0x10200] =	vst v63  }
0xe1: {  	_ = 	snop  }
0xe2: {  	[hbm4b:s3+s2] =	stream.indirect_vreg.scatter [tilespmem:s1], [sflag:$0x6], $0x80, v3, vm0, $0xb8;
	[tilespmem:$0x10200] =	vst v63  }
0xe3: {  	_ = 	snop  }
0xe4: {  	[hbm4b:s5+s2] =	stream.indirect_vreg.scatter [tilespmem:s4], [sflag:$0x6], $0x80, v3, vm0, $0xb8;
	[tilespmem:$0x10200] =	vst v63  }
0xe5: {  	v3 =	vld [tilespmem:$0x190];
	_ =	sdelay $0x4  }
0xe6: {  	v61 =	vshll.u32 v3, $0x2  }
0xe7: {  	v3 =	vand.u32 $0x7, v3;
	v4 =	vand.u32 $0xFFFFFFE0, v61  }
0xe8: {  	v3 =	vor.u32 v3, v4  }
0xe9: {  	v4 =	vperm.xlane v3, v0;
	_ =	sdelay $0x1  }
0xea: {  	v4 =	vadd.s32 v1, v4;
	_ =	sdelay $0x1  }
0xeb: {  	v3 =	vperm.xlane v3, v2;
	_ =	sdelay $0x1  }
0xec: {  	v3 =	vadd.s32 v1, v3  }
0xed: {  	[hbm4b:s3+s2] =	stream.indirect_vreg.scatter [tilespmem:s11], [sflag:$0x6], $0x80, v4, vm0, $0xb8;
	[tilespmem:$0x10200] =	vst v63  }
0xee: {  	_ = 	snop  }
0xef: {  	[hbm4b:s5+s2] =	stream.indirect_vreg.scatter [tilespmem:s12], [sflag:$0x6], $0x80, v4, vm0, $0xb8;
	[tilespmem:$0x10200] =	vst v63  }
0xf0: {  	_ = 	snop  }
0xf1: {  	[hbm4b:s3+s2] =	stream.indirect_vreg.scatter [tilespmem:s13], [sflag:$0x6], $0x80, v3, vm0, $0xb8;
	[tilespmem:$0x10200] =	vst v63  }
0xf2: {  	_ = 	snop  }
0xf3: {  	[hbm4b:s5+s2] =	stream.indirect_vreg.scatter [tilespmem:s14], [sflag:$0x6], $0x80, v3, vm0, $0xb8;
	[tilespmem:$0x10200] =	vst v63  }
0xf4: {  	v3 =	vld [tilespmem:$0x1A0];
	_ =	sdelay $0x4  }
0xf5: {  	v62 =	vshll.u32 v3, $0x2  }
0xf6: {  	v3 =	vand.u32 $0x7, v3;
	v4 =	vand.u32 $0xFFFFFFE0, v62  }
0xf7: {  	v3 =	vor.u32 v3, v4  }
0xf8: {  	v4 =	vperm.xlane v3, v0;
	_ =	sdelay $0x1  }
0xf9: {  	v4 =	vadd.s32 v1, v4;
	_ =	sdelay $0x1  }
0xfa: {  	v3 =	vperm.xlane v3, v2;
	_ =	sdelay $0x1  }
0xfb: {  	v3 =	vadd.s32 v1, v3  }
0xfc: {  	[hbm4b:s3+s2] =	stream.indirect_vreg.scatter [tilespmem:s15], [sflag:$0x6], $0x80, v4, vm0, $0xb8;
	[tilespmem:$0x10200] =	vst v63  }
0xfd: {  	_ = 	snop  }
0xfe: {  	[hbm4b:s5+s2] =	stream.indirect_vreg.scatter [tilespmem:s23], [sflag:$0x6], $0x80, v4, vm0, $0xb8;
	[tilespmem:$0x10200] =	vst v63  }
0xff: {  	_ = 	snop  }
0x100: {  	[hbm4b:s3+s2] =	stream.indirect_vreg.scatter [tilespmem:s24], [sflag:$0x6], $0x80, v3, vm0, $0xb8;
	[tilespmem:$0x10200] =	vst v63  }
0x101: {  	_ = 	snop  }
0x102: {  	[hbm4b:s5+s2] =	stream.indirect_vreg.scatter [tilespmem:s25], [sflag:$0x6], $0x80, v3, vm0, $0xb8;
	[tilespmem:$0x10200] =	vst v63  }
0x103: {  	v3 =	vld [tilespmem:$0x1B0];
	_ =	sdelay $0x4  }
0x104: {  	v63 =	vshll.u32 v3, $0x2  }
0x105: {  	v3 =	vand.u32 $0x7, v3;
	v4 =	vand.u32 $0xFFFFFFE0, v63  }
0x106: {  	v3 =	vor.u32 v3, v4  }
0x107: {  	v4 =	vperm.xlane v3, v0;
	_ =	sdelay $0x1  }
0x108: {  	v4 =	vadd.s32 v1, v4;
	_ =	sdelay $0x1  }
0x109: {  	v3 =	vperm.xlane v3, v2;
	_ =	sdelay $0x1  }
0x10a: {  	v3 =	vadd.s32 v1, v3  }
0x10b: {  	[hbm4b:s3+s2] =	stream.indirect_vreg.scatter [tilespmem:s28], [sflag:$0x6], $0x80, v4, vm0, $0xb8;
	[tilespmem:$0x10200] =	vst v63  }
0x10c: {  	_ = 	snop  }
0x10d: {  	[hbm4b:s5+s2] =	stream.indirect_vreg.scatter [tilespmem:s16], [sflag:$0x6], $0x80, v4, vm0, $0xb8;
	[tilespmem:$0x10200] =	vst v63  }
0x10e: {  	_ = 	snop  }
0x10f: {  	[hbm4b:s3+s2] =	stream.indirect_vreg.scatter [tilespmem:s17], [sflag:$0x6], $0x80, v3, vm0, $0xb8;
	[tilespmem:$0x10200] =	vst v63  }
0x110: {  	_ = 	snop  }
0x111: {  	[hbm4b:s5+s2] =	stream.indirect_vreg.scatter [tilespmem:s18], [sflag:$0x6], $0x80, v3, vm0, $0xb8;
	[tilespmem:$0x10200] =	vst v63  }
0x112: {  	_ =	swait.ge [sflag:s19], $0x8000  }
0x113: {  	[sflag:s19] =	ssyncset.done $0x0  }
0x114: {  	[sflag:s19] =	ssyncadd.s32 $0xFFFF8000  }
0x115: {  	_ =	swait.ge [sflag:s20], $0x8000  }
0x116: {  	[sflag:s20] =	ssyncset.done $0x0  }
0x117: {  	[sflag:s20] =	ssyncadd.s32 $0xFFFF8000  }
0x118: {  	p0 =	sne.s32 s6, $0x1;
	_ =	swait.ge [sflag:s21], $0x8000  }
.Ltmp0:
0x119: {  	[sflag:s21] =	ssyncset.done $0x0;
	(pc) =	sbr.rel @p0 .LBB2_1-.Ltmp0, $4  }
0x11a: {  	[sflag:s21] =	ssyncadd.s32 $0xFFFF8000  }
0x11b: {  	_ =	swait.ge [sflag:s22], $0x8000  }
0x11c: {  	[sflag:s22] =	ssyncset.done $0x0  }
0x11d: {  	s6 =	sadd.s32 $0xFFFFFFFF, s6;
	[sflag:s22] =	ssyncadd.s32 $0xFFFF8000  }
0x11e: {  	_ =	sfence.sel $0x180000  }
0x11f: {  	[bflag:$0x0] =	sbarrier.arrive $0xFFFF  }
0x120: {  	_ =	strace $0x90000047  }
0x121: {  	s0 =	stileid.u32;
	[bflag:$0x2] =	sbarrier.arrive $0xFFFF  }
0x122: {  	p0 =	sne.s32 s0, $0x0;
	s0 =	rddreg [dreg:$0x2]  }
0x123: {  	s0 =	sadd.s32 @!p0 $0x100000, s0  }
0x124: {  	[sflag:s0] =	ssyncadd.tile.s32 @!p0 $0x1;
	_ =	shalt  }
.Lfunc_end2:
_tile_overlayer_lowered:
.L_overlay_start_2:
0x125: {  	(tag) =	ssettag $0x2  }
0x126: {  	s0 =	rddreg [dreg:$0x0];
	s2 =	stileid.u32  }
0x127: {  	s1 =	rddreg [dreg:$0x1];
	p0 =	sne.s32 s2, $0x0  }
0x128: {  	s3 =	rddreg [dreg:$0x2];
	[bflag:$0x3] =	sbarrier.arrive $0xFFFF;
	s2 =	simm.s32 @!p0 $0x1C07  }
0x129: {  	[timem:s3], [sflag:s2] =	dma.local @!p0 [hbm:s0], s1  }
0x12a: {  	s0 =	simm.s32 @!p0 $0x7  }
0x12b: {  	_ =	swait.ge @!p0 [sflag:s0], s1  }
0x12c: {  	s1 =	ssub.s32 @!p0 $0x0, s1;
	[sflag:s0] =	ssyncset.done @!p0 $0x0  }
0x12d: {  	[sflag:s0] =	ssyncadd.s32 @!p0 s1  }
0x12e: {  	[bflag:$0x3] =	sbarrier.arrive $0xFFFF  }
0x12f: {  	_ =	shalt  }

</sc_bundles>
